<compile_context>
chip_gen: v7x
topology: tpu7x:2x2x1
jax: 0.10.2.dev20260603
libtpu: 0.0.44.dev20260713+nightly
codegen_flags: <defaults>
</compile_context>

<pallas_src>
import functools

import jax
import jax.numpy as jnp
from jax import lax
from jax.experimental import pallas as pl
from jax.experimental.pallas import tpu as pltpu
from jax.experimental.pallas import tpu_sc as plsc

B, L, D = 4096, 200, 64
R = B * L
NC, NS = 2, 16
NW = NC * NS
CHUNK = 128
ROWS_PER_W = R // NW
CHUNKS_PER_W = ROWS_PER_W // CHUNK
NSLAB = 4

W_BLK = 8192
NBLK = 123
PACKED_ROWS = NBLK * (W_BLK // 2)


def _linearize_body(t_ref, o_ref):
    t = t_ref[...]
    tr = jnp.transpose(t)
    o_ref[...] = jnp.concatenate([tr[: W_BLK // 2], tr[W_BLK // 2 :]], axis=1)


def _tc_linearize(tt):
    return pl.pallas_call(
        _linearize_body,
        grid=(NBLK,),
        in_specs=[pl.BlockSpec((64, W_BLK), lambda i: (0, i))],
        out_specs=pl.BlockSpec((W_BLK // 2, 128), lambda i: (i, 0)),
        out_shape=jax.ShapeDtypeStruct((PACKED_ROWS, 128), jnp.float32),
    )(tt)


def _sc_gather(table_lin, idx3):
    mesh = plsc.VectorSubcoreMesh(core_axis_name="c", subcore_axis_name="s")

    @functools.partial(
        pl.kernel,
        mesh=mesh,
        compiler_params=pltpu.CompilerParams(use_tc_tiling_on_sc=False),
        out_type=jax.ShapeDtypeStruct((R // 2, 128), jnp.float32),
        scratch_types=[
            pltpu.VMEM((CHUNKS_PER_W, CHUNK), jnp.int32),
            pltpu.VMEM((NSLAB, CHUNK, D), jnp.float32),
            pltpu.SemaphoreType.DMA,
            pltpu.SemaphoreType.DMA,
            pltpu.SemaphoreType.DMA,
            pltpu.SemaphoreType.DMA,
            pltpu.SemaphoreType.DMA,
            pltpu.SemaphoreType.DMA,
            pltpu.SemaphoreType.DMA,
            pltpu.SemaphoreType.DMA,
        ],
    )
    def k(table_hbm, idx_hbm, out_hbm, idx_v, rows_v,
          g0, g1, g2, g3, w0, w1, w2, w3):
        gsem = (g0, g1, g2, g3)
        wsem = (w0, w1, w2, w3)
        wid = lax.axis_index("s") * NC + lax.axis_index("c")
        base_c = wid * CHUNKS_PER_W
        pltpu.sync_copy(idx_hbm.at[wid], idx_v)

        def dst(g):
            cg = base_c + g
            prow = ((cg >> 5) << 11) + ((cg & 15) << 7)
            half = (cg >> 4) & 1
            return out_hbm.at[pl.ds(prow, CHUNK), pl.ds(half * D, D)]

        def fire_gather(g, slab):
            pltpu.async_copy(
                table_hbm.at[idx_v.at[g]], rows_v.at[slab], gsem[slab]
            )

        def drain_gather(slab):
            pltpu.make_async_copy(
                table_hbm.at[pl.ds(0, CHUNK)], rows_v.at[slab], gsem[slab]
            ).wait()

        def fire_write(g, slab):
            pltpu.async_copy(rows_v.at[slab], dst(g), wsem[slab])

        def drain_write(slab):
            pltpu.make_async_copy(rows_v.at[slab], dst(0), wsem[slab]).wait()

        fire_gather(0, 0)
        fire_gather(1, 1)

        def body(h, carry):
            for par in range(NSLAB):
                g = h * NSLAB + par
                slab2 = (par + 2) % NSLAB

                @pl.when(g >= 2)
                def _():
                    drain_write(slab2)

                @pl.when(g + 2 < CHUNKS_PER_W)
                def _():
                    fire_gather(g + 2, slab2)

                drain_gather(par)
                fire_write(g, par)
            return carry

        lax.fori_loop(0, CHUNKS_PER_W // NSLAB, body, 0, unroll=False)
        drain_write((CHUNKS_PER_W - 2) % NSLAB)
        drain_write((CHUNKS_PER_W - 1) % NSLAB)

    return k(table_lin, idx3)


BLK2 = 2048


def _blend_body(g_ref, qa_ref, qb_ref, w2_ref, b2_ref, o_ref):
    g = g_ref[...]
    qa = qa_ref[...]
    qb = qb_ref[...]
    lane = lax.broadcasted_iota(jnp.int32, (BLK2, 128), 1)
    qae = jax.lax.broadcast_in_dim(qa, (BLK2, 128), (0,))
    qbe = jax.lax.broadcast_in_dim(qb, (BLK2, 128), (0,))
    qq = jnp.where(lane < 64, qae, qbe)
    proj = jnp.dot(g, w2_ref[...], preferred_element_type=jnp.float32)
    o = g + qq * (proj + b2_ref[...])
    o_ref[...] = jnp.concatenate([o[:, :D], o[:, D:]], axis=0)


def _tc_blend(g2, qflat, w2, b2):
    return pl.pallas_call(
        _blend_body,
        grid=(R // 2 // BLK2,),
        in_specs=[
            pl.BlockSpec((BLK2, 128), lambda i: (i, 0)),
            pl.BlockSpec((BLK2,), lambda i: (2 * i,)),
            pl.BlockSpec((BLK2,), lambda i: (2 * i + 1,)),
            pl.BlockSpec((128, 128), lambda i: (0, 0)),
            pl.BlockSpec((1, 128), lambda i: (0, 0)),
        ],
        out_specs=pl.BlockSpec((2 * BLK2, D), lambda i: (i, 0)),
        out_shape=jax.ShapeDtypeStruct((R, D), jnp.float32),
    )(g2, qflat, qflat, w2, b2)


def kernel(x, quantum_state, table, W, b):
    xr = x.reshape(NW, CHUNKS_PER_W, CHUNK)
    idx3 = ((xr >> 13) << 13) + 2 * (xr & 4095) + ((xr >> 12) & 1)

    table_lin = _tc_linearize(table.T).reshape(2 * PACKED_ROWS, 64)
    g2 = _sc_gather(table_lin, idx3)

    wp = W - jnp.eye(D, dtype=W.dtype)
    zero = jnp.zeros((D, D), dtype=W.dtype)
    w2 = jnp.block([[wp, zero], [zero, wp]])
    b2 = jnp.concatenate([b, b]).reshape(1, 128)

    out = _tc_blend(g2, quantum_state.reshape(R), w2, b2)
    return out.reshape(B, L, D)

# --- scband reference (transcript-rebuilt; emitter-appended) ---
"""Pipeline reference for scband-quantum-embedding-87376814670604 (READ-ONLY COPY).

The authoritative reference and input builder live on the scoring server;
editing this copy changes nothing except your own understanding.
"""

import jax, jax.numpy as jnp
import numpy as np

VOCAB = 1000000
D_MODEL = 64
B = 4096
L = 200

def setup_inputs(seed: int = 0) -> dict:
    key = jax.random.key(seed)
    k_x, k_qs, k_tab, k_w, k_b = jax.random.split(key, 5)
    x = jax.random.randint(k_x, (B, L), 0, VOCAB, dtype=jnp.int64 if jax.config.jax_enable_x64 else jnp.int32).astype(jnp.int32)
    quantum_state = jax.random.uniform(k_qs, (B, L, 1), dtype=jnp.float32)
    table = jax.random.normal(k_tab, (VOCAB, D_MODEL), dtype=jnp.float32) * 0.02
    W = jax.random.normal(k_w, (D_MODEL, D_MODEL), dtype=jnp.float32) * (1.0 / np.sqrt(D_MODEL))
    b = jnp.zeros((D_MODEL,), dtype=jnp.float32)
    return {"x": x, "quantum_state": quantum_state, "table": table, "W": W, "b": b}

def reference(x, quantum_state, table, W, b):
    # emb = self.embedding(x)
    emb = jnp.take(table, x, axis=0)
    # quantum_emb = self.quantum_projection(emb)
    quantum_emb = emb @ W + b
    # emb = emb * (1 - quantum_state) + quantum_emb * quantum_state
    out = emb * (1.0 - quantum_state) + quantum_emb * quantum_state
    return out

if __name__ == "__main__":
    import jax
    _d = setup_inputs()
    print(jax.jit(kernel)(*tuple(_d.values())))

</pallas_src>

<mosaic_0001>
#map = affine_map<(d0, d1) -> (0, 0)>
#map1 = affine_map<(d0, d1) -> (0, 0, 0)>
module attributes {stable_mosaic.version = 14 : i64} {
  func.func @k(%arg0: i32, %arg1: i32, %arg2: memref<1007616x64xf32, #tpu.memory_space<hbm>>, %arg3: memref<32x200x128xi32, #tpu.memory_space<hbm>>, %arg4: memref<409600x128xf32, #tpu.memory_space<hbm>>, %arg5: memref<200x128xi32, #tpu.memory_space<vmem>>, %arg6: memref<4x128x64xf32, #tpu.memory_space<vmem>>, %arg7: memref<!tpu.dma_semaphore, #tpu.memory_space<semaphore_mem>>, %arg8: memref<!tpu.dma_semaphore, #tpu.memory_space<semaphore_mem>>, %arg9: memref<!tpu.dma_semaphore, #tpu.memory_space<semaphore_mem>>, %arg10: memref<!tpu.dma_semaphore, #tpu.memory_space<semaphore_mem>>, %arg11: memref<!tpu.dma_semaphore, #tpu.memory_space<semaphore_mem>>, %arg12: memref<!tpu.dma_semaphore, #tpu.memory_space<semaphore_mem>>, %arg13: memref<!tpu.dma_semaphore, #tpu.memory_space<semaphore_mem>>, %arg14: memref<!tpu.dma_semaphore, #tpu.memory_space<semaphore_mem>>) attributes {dimension_semantics = [#tpu.dimension_semantics<core_parallel>, #tpu.dimension_semantics<subcore_parallel>], iteration_bounds = array<i64: 2, 16>, scalar_prefetch = 0 : i64, scratch_operands = 10 : i64, tpu.core_type = #tpu.core_type<sc_vector_subcore>, window_params = [{transform_indices = #map}, {transform_indices = #map1}, {transform_indices = #map}]} {
    %mul3A = arith.constant 2 : i32
    %mul3A_0 = arith.muli %arg1, %mul3A : i32
    %add3A = arith.addi %mul3A_0, %arg0 : i32
    %mul3A_1 = arith.constant 200 : i32
    %mul3A_2 = arith.muli %add3A, %mul3A_1 : i32
    "tpu.region"() ({
      %run_scoped3A = tpu.sem_alloc : memref<!tpu.dma_semaphore, #tpu.memory_space<semaphore_mem>>
      %dma_start3A_83 = arith.constant 0 : i32
      %dma_start3A_84 = arith.constant 0 : i32
      %dma_start3A_85 = tpu.memref_slice %arg3[%add3A, %dma_start3A_83, %dma_start3A_84] : memref<32x200x128xi32, #tpu.memory_space<hbm>> -> memref<1x200x128xi32, #tpu.memory_space<hbm>>
      %dma_start3A_86 = tpu.memref_squeeze %dma_start3A_85 : memref<1x200x128xi32, #tpu.memory_space<hbm>> -> memref<200x128xi32, #tpu.memory_space<hbm>>
      %dma_start3A_87 = arith.constant 0 : i32
      %dma_start3A_88 = arith.constant 0 : i32
      %dma_start3A_89 = tpu.memref_slice %arg3[%add3A, %dma_start3A_87, %dma_start3A_88] : memref<32x200x128xi32, #tpu.memory_space<hbm>> -> memref<1x200x128xi32, #tpu.memory_space<hbm>>
      %dma_start3A_90 = tpu.memref_squeeze %dma_start3A_89 : memref<1x200x128xi32, #tpu.memory_space<hbm>> -> memref<200x128xi32, #tpu.memory_space<hbm>>
      tpu.enqueue_dma source(%dma_start3A_90 : memref<200x128xi32, #tpu.memory_space<hbm>>) target(%arg5 : memref<200x128xi32, #tpu.memory_space<vmem>>) target_semaphore(%run_scoped3A : memref<!tpu.dma_semaphore, #tpu.memory_space<semaphore_mem>>)
      %dma_wait3A_91 = arith.constant 0 : i32
      %dma_wait3A_92 = arith.constant 0 : i32
      %dma_wait3A_93 = tpu.memref_slice %arg3[%add3A, %dma_wait3A_91, %dma_wait3A_92] : memref<32x200x128xi32, #tpu.memory_space<hbm>> -> memref<1x200x128xi32, #tpu.memory_space<hbm>>
      %dma_wait3A_94 = tpu.memref_squeeze %dma_wait3A_93 : memref<1x200x128xi32, #tpu.memory_space<hbm>> -> memref<200x128xi32, #tpu.memory_space<hbm>>
      %dma_wait3A_95 = arith.constant 0 : i32
      %dma_wait3A_96 = arith.constant 0 : i32
      %dma_wait3A_97 = tpu.memref_slice %arg3[%add3A, %dma_wait3A_95, %dma_wait3A_96] : memref<32x200x128xi32, #tpu.memory_space<hbm>> -> memref<1x200x128xi32, #tpu.memory_space<hbm>>
      %dma_wait3A_98 = tpu.memref_squeeze %dma_wait3A_97 : memref<1x200x128xi32, #tpu.memory_space<hbm>> -> memref<200x128xi32, #tpu.memory_space<hbm>>
      tpu.wait_dma2 semaphore(%run_scoped3A : memref<!tpu.dma_semaphore, #tpu.memory_space<semaphore_mem>>) src(%dma_wait3A_98 : memref<200x128xi32, #tpu.memory_space<hbm>>) dst(%arg5 : memref<200x128xi32, #tpu.memory_space<vmem>>)
      tpu.yield
    }) : () -> ()
    %dma_start3A = arith.constant 0 : i32
    %dma_start3A_3 = arith.constant 0 : i32
    %dma_start3A_4 = arith.constant 0 : i32
    %dma_start3A_5 = arith.constant 0 : i32
    %dma_start3A_6 = tpu.memref_slice %arg6[%dma_start3A_3, %dma_start3A_4, %dma_start3A_5] : memref<4x128x64xf32, #tpu.memory_space<vmem>> -> memref<1x128x64xf32, #tpu.memory_space<vmem>>
    %dma_start3A_7 = tpu.memref_squeeze %dma_start3A_6 : memref<1x128x64xf32, #tpu.memory_space<vmem>> -> memref<128x64xf32, #tpu.memory_space<vmem>>
    %dma_start3A_8 = arith.constant 0 : i32
    %dma_start3A_9 = tpu.memref_slice %arg5[%dma_start3A, %dma_start3A_8] : memref<200x128xi32, #tpu.memory_space<vmem>> -> memref<1x128xi32, #tpu.memory_space<vmem>>
    %dma_start3A_10 = tpu.memref_squeeze %dma_start3A_9 : memref<1x128xi32, #tpu.memory_space<vmem>> -> memref<128xi32, #tpu.memory_space<vmem>>
    %dma_start3A_11 = arith.constant 0 : i32
    %dma_start3A_12 = arith.constant 0 : i32
    %dma_start3A_13 = tpu.memref_slice %arg2[%dma_start3A_11, %dma_start3A_12] : memref<1007616x64xf32, #tpu.memory_space<hbm>> -> memref<1007616x64xf32, #tpu.memory_space<hbm>>
    tpu.enqueue_indirect_dma source(%dma_start3A_13 : memref<1007616x64xf32, #tpu.memory_space<hbm>>) target(%dma_start3A_7 : memref<128x64xf32, #tpu.memory_space<vmem>>) offsets(%dma_start3A_10 : memref<128xi32, #tpu.memory_space<vmem>>) semaphore(%arg7 : memref<!tpu.dma_semaphore, #tpu.memory_space<semaphore_mem>>)
    %dma_start3A_14 = arith.constant 1 : i32
    %dma_start3A_15 = arith.constant 1 : i32
    %dma_start3A_16 = arith.constant 0 : i32
    %dma_start3A_17 = arith.constant 0 : i32
    %dma_start3A_18 = tpu.memref_slice %arg6[%dma_start3A_15, %dma_start3A_16, %dma_start3A_17] : memref<4x128x64xf32, #tpu.memory_space<vmem>> -> memref<1x128x64xf32, #tpu.memory_space<vmem>>
    %dma_start3A_19 = tpu.memref_squeeze %dma_start3A_18 : memref<1x128x64xf32, #tpu.memory_space<vmem>> -> memref<128x64xf32, #tpu.memory_space<vmem>>
    %dma_start3A_20 = arith.constant 0 : i32
    %dma_start3A_21 = tpu.memref_slice %arg5[%dma_start3A_14, %dma_start3A_20] : memref<200x128xi32, #tpu.memory_space<vmem>> -> memref<1x128xi32, #tpu.memory_space<vmem>>
    %dma_start3A_22 = tpu.memref_squeeze %dma_start3A_21 : memref<1x128xi32, #tpu.memory_space<vmem>> -> memref<128xi32, #tpu.memory_space<vmem>>
    %dma_start3A_23 = arith.constant 0 : i32
    %dma_start3A_24 = arith.constant 0 : i32
    %dma_start3A_25 = tpu.memref_slice %arg2[%dma_start3A_23, %dma_start3A_24] : memref<1007616x64xf32, #tpu.memory_space<hbm>> -> memref<1007616x64xf32, #tpu.memory_space<hbm>>
    tpu.enqueue_indirect_dma source(%dma_start3A_25 : memref<1007616x64xf32, #tpu.memory_space<hbm>>) target(%dma_start3A_19 : memref<128x64xf32, #tpu.memory_space<vmem>>) offsets(%dma_start3A_22 : memref<128xi32, #tpu.memory_space<vmem>>) semaphore(%arg8 : memref<!tpu.dma_semaphore, #tpu.memory_space<semaphore_mem>>)
    %scan3A = arith.constant 0 : i32
    %scan3A_26 = arith.constant 0 : i32
    %scan3A_27 = arith.constant 50 : i32
    %scan3A_28 = arith.addi %scan3A_26, %scan3A_27 : i32
    %scan3A_29 = arith.constant 1 : i32
    scf.for %scan3A_83 = %scan3A_26 to %scan3A_28 step %scan3A_29  : i32 {
      %mul3A_84 = arith.constant 4 : i32
      %mul3A_85 = arith.muli %scan3A_83, %mul3A_84 : i32
      %add3A_86 = arith.constant 0 : i32
      %add3A_87 = arith.addi %mul3A_85, %add3A_86 : i32
      %ge3A = arith.constant 2 : i32
      %ge3A_88 = arith.cmpi sge, %add3A_87, %ge3A : i32
      %convert_element_type3A = arith.extui %ge3A_88 : i1 to i32
      %cond3A = arith.constant 0 : i32
      %cond3A_89 = arith.cmpi ne, %convert_element_type3A, %cond3A : i32
      scf.if %cond3A_89 {
        %add3A_312 = arith.constant 0 : i32
        %add3A_313 = arith.addi %mul3A_2, %add3A_312 : i32
        %shift_right_arithmetic3A_314 = arith.constant 5 : i32
        %shift_right_arithmetic3A_315 = arith.shrsi %add3A_313, %shift_right_arithmetic3A_314 : i32
        %shift_left3A_316 = arith.constant 11 : i32
        %shift_left3A_317 = arith.shli %shift_right_arithmetic3A_315, %shift_left3A_316 : i32
        %and3A_318 = arith.constant 15 : i32
        %and3A_319 = arith.andi %add3A_313, %and3A_318 : i32
        %shift_left3A_320 = arith.constant 7 : i32
        %shift_left3A_321 = arith.shli %and3A_319, %shift_left3A_320 : i32
        %add3A_322 = arith.addi %shift_left3A_317, %shift_left3A_321 : i32
        %shift_right_arithmetic3A_323 = arith.constant 4 : i32
        %shift_right_arithmetic3A_324 = arith.shrsi %add3A_313, %shift_right_arithmetic3A_323 : i32
        %and3A_325 = arith.constant 1 : i32
        %and3A_326 = arith.andi %shift_right_arithmetic3A_324, %and3A_325 : i32
        %mul3A_327 = arith.constant 64 : i32
        %mul3A_328 = arith.muli %and3A_326, %mul3A_327 : i32
        %dma_wait3A_329 = arith.constant 2 : i32
        %dma_wait3A_330 = arith.constant 0 : i32
        %dma_wait3A_331 = arith.constant 0 : i32
        %dma_wait3A_332 = tpu.memref_slice %arg6[%dma_wait3A_329, %dma_wait3A_330, %dma_wait3A_331] : memref<4x128x64xf32, #tpu.memory_space<vmem>> -> memref<1x128x64xf32, #tpu.memory_space<vmem>>
        %dma_wait3A_333 = tpu.memref_squeeze %dma_wait3A_332 : memref<1x128x64xf32, #tpu.memory_space<vmem>> -> memref<128x64xf32, #tpu.memory_space<vmem>>
        %dma_wait3A_334 = tpu.memref_slice %arg4[%add3A_322, %mul3A_328] : memref<409600x128xf32, #tpu.memory_space<hbm>> -> memref<128x64xf32, #tpu.memory_space<hbm>>
        %dma_wait3A_335 = tpu.memref_slice %arg4[%add3A_322, %mul3A_328] : memref<409600x128xf32, #tpu.memory_space<hbm>> -> memref<128x64xf32, #tpu.memory_space<hbm>>
        %dma_wait3A_336 = arith.constant 0 : i32
        %dma_wait3A_337 = arith.constant 0 : i32
        %dma_wait3A_338 = tpu.memref_slice %arg6[%dma_wait3A_329, %dma_wait3A_336, %dma_wait3A_337] : memref<4x128x64xf32, #tpu.memory_space<vmem>> -> memref<1x128x64xf32, #tpu.memory_space<vmem>>
        %dma_wait3A_339 = tpu.memref_squeeze %dma_wait3A_338 : memref<1x128x64xf32, #tpu.memory_space<vmem>> -> memref<128x64xf32, #tpu.memory_space<vmem>>
        tpu.wait_dma2 semaphore(%arg13 : memref<!tpu.dma_semaphore, #tpu.memory_space<semaphore_mem>>) src(%dma_wait3A_339 : memref<128x64xf32, #tpu.memory_space<vmem>>) dst(%dma_wait3A_335 : memref<128x64xf32, #tpu.memory_space<hbm>>)
      } else {
      }
      %add3A_90 = arith.constant 2 : i32
      %add3A_91 = arith.addi %add3A_87, %add3A_90 : i32
      %lt3A = arith.constant 200 : i32
      %lt3A_92 = arith.cmpi slt, %add3A_91, %lt3A : i32
      %convert_element_type3A_93 = arith.extui %lt3A_92 : i1 to i32
      %cond3A_94 = arith.constant 0 : i32
      %cond3A_95 = arith.cmpi ne, %convert_element_type3A_93, %cond3A_94 : i32
      scf.if %cond3A_95 {
        %add3A_312 = arith.constant 2 : i32
        %add3A_313 = arith.addi %add3A_87, %add3A_312 : i32
        %dma_start3A_314 = arith.constant 2 : i32
        %dma_start3A_315 = arith.constant 0 : i32
        %dma_start3A_316 = arith.constant 0 : i32
        %dma_start3A_317 = tpu.memref_slice %arg6[%dma_start3A_314, %dma_start3A_315, %dma_start3A_316] : memref<4x128x64xf32, #tpu.memory_space<vmem>> -> memref<1x128x64xf32, #tpu.memory_space<vmem>>
        %dma_start3A_318 = tpu.memref_squeeze %dma_start3A_317 : memref<1x128x64xf32, #tpu.memory_space<vmem>> -> memref<128x64xf32, #tpu.memory_space<vmem>>
        %dma_start3A_319 = arith.constant 0 : i32
        %dma_start3A_320 = tpu.memref_slice %arg5[%add3A_313, %dma_start3A_319] : memref<200x128xi32, #tpu.memory_space<vmem>> -> memref<1x128xi32, #tpu.memory_space<vmem>>
        %dma_start3A_321 = tpu.memref_squeeze %dma_start3A_320 : memref<1x128xi32, #tpu.memory_space<vmem>> -> memref<128xi32, #tpu.memory_space<vmem>>
        %dma_start3A_322 = arith.constant 0 : i32
        %dma_start3A_323 = arith.constant 0 : i32
        %dma_start3A_324 = tpu.memref_slice %arg2[%dma_start3A_322, %dma_start3A_323] : memref<1007616x64xf32, #tpu.memory_space<hbm>> -> memref<1007616x64xf32, #tpu.memory_space<hbm>>
        tpu.enqueue_indirect_dma source(%dma_start3A_324 : memref<1007616x64xf32, #tpu.memory_space<hbm>>) target(%dma_start3A_318 : memref<128x64xf32, #tpu.memory_space<vmem>>) offsets(%dma_start3A_321 : memref<128xi32, #tpu.memory_space<vmem>>) semaphore(%arg9 : memref<!tpu.dma_semaphore, #tpu.memory_space<semaphore_mem>>)
      } else {
      }
      %dma_wait3A_96 = arith.constant 0 : i32
      %dma_wait3A_97 = arith.constant 0 : i32
      %dma_wait3A_98 = arith.constant 0 : i32
      %dma_wait3A_99 = tpu.memref_slice %arg6[%dma_wait3A_96, %dma_wait3A_97, %dma_wait3A_98] : memref<4x128x64xf32, #tpu.memory_space<vmem>> -> memref<1x128x64xf32, #tpu.memory_space<vmem>>
      %dma_wait3A_100 = tpu.memref_squeeze %dma_wait3A_99 : memref<1x128x64xf32, #tpu.memory_space<vmem>> -> memref<128x64xf32, #tpu.memory_space<vmem>>
      %dma_wait3A_101 = arith.constant 0 : i32
      %dma_wait3A_102 = arith.constant 0 : i32
      %dma_wait3A_103 = tpu.memref_slice %arg2[%dma_wait3A_101, %dma_wait3A_102] : memref<1007616x64xf32, #tpu.memory_space<hbm>> -> memref<128x64xf32, #tpu.memory_space<hbm>>
      %dma_wait3A_104 = arith.constant 0 : i32
      %dma_wait3A_105 = arith.constant 0 : i32
      %dma_wait3A_106 = tpu.memref_slice %arg6[%dma_wait3A_96, %dma_wait3A_104, %dma_wait3A_105] : memref<4x128x64xf32, #tpu.memory_space<vmem>> -> memref<1x128x64xf32, #tpu.memory_space<vmem>>
      %dma_wait3A_107 = tpu.memref_squeeze %dma_wait3A_106 : memref<1x128x64xf32, #tpu.memory_space<vmem>> -> memref<128x64xf32, #tpu.memory_space<vmem>>
      %dma_wait3A_108 = arith.constant 0 : i32
      %dma_wait3A_109 = arith.constant 0 : i32
      %dma_wait3A_110 = tpu.memref_slice %arg2[%dma_wait3A_108, %dma_wait3A_109] : memref<1007616x64xf32, #tpu.memory_space<hbm>> -> memref<128x64xf32, #tpu.memory_space<hbm>>
      tpu.wait_dma2 semaphore(%arg7 : memref<!tpu.dma_semaphore, #tpu.memory_space<semaphore_mem>>) src(%dma_wait3A_110 : memref<128x64xf32, #tpu.memory_space<hbm>>) dst(%dma_wait3A_107 : memref<128x64xf32, #tpu.memory_space<vmem>>)
      %add3A_111 = arith.addi %mul3A_2, %add3A_87 : i32
      %shift_right_arithmetic3A_112 = arith.constant 5 : i32
      %shift_right_arithmetic3A_113 = arith.shrsi %add3A_111, %shift_right_arithmetic3A_112 : i32
      %shift_left3A_114 = arith.constant 11 : i32
      %shift_left3A_115 = arith.shli %shift_right_arithmetic3A_113, %shift_left3A_114 : i32
      %and3A_116 = arith.constant 15 : i32
      %and3A_117 = arith.andi %add3A_111, %and3A_116 : i32
      %shift_left3A_118 = arith.constant 7 : i32
      %shift_left3A_119 = arith.shli %and3A_117, %shift_left3A_118 : i32
      %add3A_120 = arith.addi %shift_left3A_115, %shift_left3A_119 : i32
      %shift_right_arithmetic3A_121 = arith.constant 4 : i32
      %shift_right_arithmetic3A_122 = arith.shrsi %add3A_111, %shift_right_arithmetic3A_121 : i32
      %and3A_123 = arith.constant 1 : i32
      %and3A_124 = arith.andi %shift_right_arithmetic3A_122, %and3A_123 : i32
      %mul3A_125 = arith.constant 64 : i32
      %mul3A_126 = arith.muli %and3A_124, %mul3A_125 : i32
      %dma_start3A_127 = arith.constant 0 : i32
      %dma_start3A_128 = arith.constant 0 : i32
      %dma_start3A_129 = arith.constant 0 : i32
      %dma_start3A_130 = tpu.memref_slice %arg6[%dma_start3A_127, %dma_start3A_128, %dma_start3A_129] : memref<4x128x64xf32, #tpu.memory_space<vmem>> -> memref<1x128x64xf32, #tpu.memory_space<vmem>>
      %dma_start3A_131 = tpu.memref_squeeze %dma_start3A_130 : memref<1x128x64xf32, #tpu.memory_space<vmem>> -> memref<128x64xf32, #tpu.memory_space<vmem>>
      %dma_start3A_132 = tpu.memref_slice %arg4[%add3A_120, %mul3A_126] : memref<409600x128xf32, #tpu.memory_space<hbm>> -> memref<128x64xf32, #tpu.memory_space<hbm>>
      %dma_start3A_133 = tpu.memref_slice %arg4[%add3A_120, %mul3A_126] : memref<409600x128xf32, #tpu.memory_space<hbm>> -> memref<128x64xf32, #tpu.memory_space<hbm>>
      %dma_start3A_134 = arith.constant 0 : i32
      %dma_start3A_135 = arith.constant 0 : i32
      %dma_start3A_136 = tpu.memref_slice %arg6[%dma_start3A_127, %dma_start3A_134, %dma_start3A_135] : memref<4x128x64xf32, #tpu.memory_space<vmem>> -> memref<1x128x64xf32, #tpu.memory_space<vmem>>
      %dma_start3A_137 = tpu.memref_squeeze %dma_start3A_136 : memref<1x128x64xf32, #tpu.memory_space<vmem>> -> memref<128x64xf32, #tpu.memory_space<vmem>>
      tpu.enqueue_dma source(%dma_start3A_137 : memref<128x64xf32, #tpu.memory_space<vmem>>) target(%dma_start3A_133 : memref<128x64xf32, #tpu.memory_space<hbm>>) target_semaphore(%arg11 : memref<!tpu.dma_semaphore, #tpu.memory_space<semaphore_mem>>)
      %mul3A_138 = arith.constant 4 : i32
      %mul3A_139 = arith.muli %scan3A_83, %mul3A_138 : i32
      %add3A_140 = arith.constant 1 : i32
      %add3A_141 = arith.addi %mul3A_139, %add3A_140 : i32
      %ge3A_142 = arith.constant 2 : i32
      %ge3A_143 = arith.cmpi sge, %add3A_141, %ge3A_142 : i32
      %convert_element_type3A_144 = arith.extui %ge3A_143 : i1 to i32
      %cond3A_145 = arith.constant 0 : i32
      %cond3A_146 = arith.cmpi ne, %convert_element_type3A_144, %cond3A_145 : i32
      scf.if %cond3A_146 {
        %add3A_312 = arith.constant 0 : i32
        %add3A_313 = arith.addi %mul3A_2, %add3A_312 : i32
        %shift_right_arithmetic3A_314 = arith.constant 5 : i32
        %shift_right_arithmetic3A_315 = arith.shrsi %add3A_313, %shift_right_arithmetic3A_314 : i32
        %shift_left3A_316 = arith.constant 11 : i32
        %shift_left3A_317 = arith.shli %shift_right_arithmetic3A_315, %shift_left3A_316 : i32
        %and3A_318 = arith.constant 15 : i32
        %and3A_319 = arith.andi %add3A_313, %and3A_318 : i32
        %shift_left3A_320 = arith.constant 7 : i32
        %shift_left3A_321 = arith.shli %and3A_319, %shift_left3A_320 : i32
        %add3A_322 = arith.addi %shift_left3A_317, %shift_left3A_321 : i32
        %shift_right_arithmetic3A_323 = arith.constant 4 : i32
        %shift_right_arithmetic3A_324 = arith.shrsi %add3A_313, %shift_right_arithmetic3A_323 : i32
        %and3A_325 = arith.constant 1 : i32
        %and3A_326 = arith.andi %shift_right_arithmetic3A_324, %and3A_325 : i32
        %mul3A_327 = arith.constant 64 : i32
        %mul3A_328 = arith.muli %and3A_326, %mul3A_327 : i32
        %dma_wait3A_329 = arith.constant 3 : i32
        %dma_wait3A_330 = arith.constant 0 : i32
        %dma_wait3A_331 = arith.constant 0 : i32
        %dma_wait3A_332 = tpu.memref_slice %arg6[%dma_wait3A_329, %dma_wait3A_330, %dma_wait3A_331] : memref<4x128x64xf32, #tpu.memory_space<vmem>> -> memref<1x128x64xf32, #tpu.memory_space<vmem>>
        %dma_wait3A_333 = tpu.memref_squeeze %dma_wait3A_332 : memref<1x128x64xf32, #tpu.memory_space<vmem>> -> memref<128x64xf32, #tpu.memory_space<vmem>>
        %dma_wait3A_334 = tpu.memref_slice %arg4[%add3A_322, %mul3A_328] : memref<409600x128xf32, #tpu.memory_space<hbm>> -> memref<128x64xf32, #tpu.memory_space<hbm>>
        %dma_wait3A_335 = tpu.memref_slice %arg4[%add3A_322, %mul3A_328] : memref<409600x128xf32, #tpu.memory_space<hbm>> -> memref<128x64xf32, #tpu.memory_space<hbm>>
        %dma_wait3A_336 = arith.constant 0 : i32
        %dma_wait3A_337 = arith.constant 0 : i32
        %dma_wait3A_338 = tpu.memref_slice %arg6[%dma_wait3A_329, %dma_wait3A_336, %dma_wait3A_337] : memref<4x128x64xf32, #tpu.memory_space<vmem>> -> memref<1x128x64xf32, #tpu.memory_space<vmem>>
        %dma_wait3A_339 = tpu.memref_squeeze %dma_wait3A_338 : memref<1x128x64xf32, #tpu.memory_space<vmem>> -> memref<128x64xf32, #tpu.memory_space<vmem>>
        tpu.wait_dma2 semaphore(%arg14 : memref<!tpu.dma_semaphore, #tpu.memory_space<semaphore_mem>>) src(%dma_wait3A_339 : memref<128x64xf32, #tpu.memory_space<vmem>>) dst(%dma_wait3A_335 : memref<128x64xf32, #tpu.memory_space<hbm>>)
      } else {
      }
      %add3A_147 = arith.constant 2 : i32
      %add3A_148 = arith.addi %add3A_141, %add3A_147 : i32
      %lt3A_149 = arith.constant 200 : i32
      %lt3A_150 = arith.cmpi slt, %add3A_148, %lt3A_149 : i32
      %convert_element_type3A_151 = arith.extui %lt3A_150 : i1 to i32
      %cond3A_152 = arith.constant 0 : i32
      %cond3A_153 = arith.cmpi ne, %convert_element_type3A_151, %cond3A_152 : i32
      scf.if %cond3A_153 {
        %add3A_312 = arith.constant 2 : i32
        %add3A_313 = arith.addi %add3A_141, %add3A_312 : i32
        %dma_start3A_314 = arith.constant 3 : i32
        %dma_start3A_315 = arith.constant 0 : i32
        %dma_start3A_316 = arith.constant 0 : i32
        %dma_start3A_317 = tpu.memref_slice %arg6[%dma_start3A_314, %dma_start3A_315, %dma_start3A_316] : memref<4x128x64xf32, #tpu.memory_space<vmem>> -> memref<1x128x64xf32, #tpu.memory_space<vmem>>
        %dma_start3A_318 = tpu.memref_squeeze %dma_start3A_317 : memref<1x128x64xf32, #tpu.memory_space<vmem>> -> memref<128x64xf32, #tpu.memory_space<vmem>>
        %dma_start3A_319 = arith.constant 0 : i32
        %dma_start3A_320 = tpu.memref_slice %arg5[%add3A_313, %dma_start3A_319] : memref<200x128xi32, #tpu.memory_space<vmem>> -> memref<1x128xi32, #tpu.memory_space<vmem>>
        %dma_start3A_321 = tpu.memref_squeeze %dma_start3A_320 : memref<1x128xi32, #tpu.memory_space<vmem>> -> memref<128xi32, #tpu.memory_space<vmem>>
        %dma_start3A_322 = arith.constant 0 : i32
        %dma_start3A_323 = arith.constant 0 : i32
        %dma_start3A_324 = tpu.memref_slice %arg2[%dma_start3A_322, %dma_start3A_323] : memref<1007616x64xf32, #tpu.memory_space<hbm>> -> memref<1007616x64xf32, #tpu.memory_space<hbm>>
        tpu.enqueue_indirect_dma source(%dma_start3A_324 : memref<1007616x64xf32, #tpu.memory_space<hbm>>) target(%dma_start3A_318 : memref<128x64xf32, #tpu.memory_space<vmem>>) offsets(%dma_start3A_321 : memref<128xi32, #tpu.memory_space<vmem>>) semaphore(%arg10 : memref<!tpu.dma_semaphore, #tpu.memory_space<semaphore_mem>>)
      } else {
      }
      %dma_wait3A_154 = arith.constant 1 : i32
      %dma_wait3A_155 = arith.constant 0 : i32
      %dma_wait3A_156 = arith.constant 0 : i32
      %dma_wait3A_157 = tpu.memref_slice %arg6[%dma_wait3A_154, %dma_wait3A_155, %dma_wait3A_156] : memref<4x128x64xf32, #tpu.memory_space<vmem>> -> memref<1x128x64xf32, #tpu.memory_space<vmem>>
      %dma_wait3A_158 = tpu.memref_squeeze %dma_wait3A_157 : memref<1x128x64xf32, #tpu.memory_space<vmem>> -> memref<128x64xf32, #tpu.memory_space<vmem>>
      %dma_wait3A_159 = arith.constant 0 : i32
      %dma_wait3A_160 = arith.constant 0 : i32
      %dma_wait3A_161 = tpu.memref_slice %arg2[%dma_wait3A_159, %dma_wait3A_160] : memref<1007616x64xf32, #tpu.memory_space<hbm>> -> memref<128x64xf32, #tpu.memory_space<hbm>>
      %dma_wait3A_162 = arith.constant 0 : i32
      %dma_wait3A_163 = arith.constant 0 : i32
      %dma_wait3A_164 = tpu.memref_slice %arg6[%dma_wait3A_154, %dma_wait3A_162, %dma_wait3A_163] : memref<4x128x64xf32, #tpu.memory_space<vmem>> -> memref<1x128x64xf32, #tpu.memory_space<vmem>>
      %dma_wait3A_165 = tpu.memref_squeeze %dma_wait3A_164 : memref<1x128x64xf32, #tpu.memory_space<vmem>> -> memref<128x64xf32, #tpu.memory_space<vmem>>
      %dma_wait3A_166 = arith.constant 0 : i32
      %dma_wait3A_167 = arith.constant 0 : i32
      %dma_wait3A_168 = tpu.memref_slice %arg2[%dma_wait3A_166, %dma_wait3A_167] : memref<1007616x64xf32, #tpu.memory_space<hbm>> -> memref<128x64xf32, #tpu.memory_space<hbm>>
      tpu.wait_dma2 semaphore(%arg8 : memref<!tpu.dma_semaphore, #tpu.memory_space<semaphore_mem>>) src(%dma_wait3A_168 : memref<128x64xf32, #tpu.memory_space<hbm>>) dst(%dma_wait3A_165 : memref<128x64xf32, #tpu.memory_space<vmem>>)
      %add3A_169 = arith.addi %mul3A_2, %add3A_141 : i32
      %shift_right_arithmetic3A_170 = arith.constant 5 : i32
      %shift_right_arithmetic3A_171 = arith.shrsi %add3A_169, %shift_right_arithmetic3A_170 : i32
      %shift_left3A_172 = arith.constant 11 : i32
      %shift_left3A_173 = arith.shli %shift_right_arithmetic3A_171, %shift_left3A_172 : i32
      %and3A_174 = arith.constant 15 : i32
      %and3A_175 = arith.andi %add3A_169, %and3A_174 : i32
      %shift_left3A_176 = arith.constant 7 : i32
      %shift_left3A_177 = arith.shli %and3A_175, %shift_left3A_176 : i32
      %add3A_178 = arith.addi %shift_left3A_173, %shift_left3A_177 : i32
      %shift_right_arithmetic3A_179 = arith.constant 4 : i32
      %shift_right_arithmetic3A_180 = arith.shrsi %add3A_169, %shift_right_arithmetic3A_179 : i32
      %and3A_181 = arith.constant 1 : i32
      %and3A_182 = arith.andi %shift_right_arithmetic3A_180, %and3A_181 : i32
      %mul3A_183 = arith.constant 64 : i32
      %mul3A_184 = arith.muli %and3A_182, %mul3A_183 : i32
      %dma_start3A_185 = arith.constant 1 : i32
      %dma_start3A_186 = arith.constant 0 : i32
      %dma_start3A_187 = arith.constant 0 : i32
      %dma_start3A_188 = tpu.memref_slice %arg6[%dma_start3A_185, %dma_start3A_186, %dma_start3A_187] : memref<4x128x64xf32, #tpu.memory_space<vmem>> -> memref<1x128x64xf32, #tpu.memory_space<vmem>>
      %dma_start3A_189 = tpu.memref_squeeze %dma_start3A_188 : memref<1x128x64xf32, #tpu.memory_space<vmem>> -> memref<128x64xf32, #tpu.memory_space<vmem>>
      %dma_start3A_190 = tpu.memref_slice %arg4[%add3A_178, %mul3A_184] : memref<409600x128xf32, #tpu.memory_space<hbm>> -> memref<128x64xf32, #tpu.memory_space<hbm>>
      %dma_start3A_191 = tpu.memref_slice %arg4[%add3A_178, %mul3A_184] : memref<409600x128xf32, #tpu.memory_space<hbm>> -> memref<128x64xf32, #tpu.memory_space<hbm>>
      %dma_start3A_192 = arith.constant 0 : i32
      %dma_start3A_193 = arith.constant 0 : i32
      %dma_start3A_194 = tpu.memref_slice %arg6[%dma_start3A_185, %dma_start3A_192, %dma_start3A_193] : memref<4x128x64xf32, #tpu.memory_space<vmem>> -> memref<1x128x64xf32, #tpu.memory_space<vmem>>
      %dma_start3A_195 = tpu.memref_squeeze %dma_start3A_194 : memref<1x128x64xf32, #tpu.memory_space<vmem>> -> memref<128x64xf32, #tpu.memory_space<vmem>>
      tpu.enqueue_dma source(%dma_start3A_195 : memref<128x64xf32, #tpu.memory_space<vmem>>) target(%dma_start3A_191 : memref<128x64xf32, #tpu.memory_space<hbm>>) target_semaphore(%arg12 : memref<!tpu.dma_semaphore, #tpu.memory_space<semaphore_mem>>)
      %mul3A_196 = arith.constant 4 : i32
      %mul3A_197 = arith.muli %scan3A_83, %mul3A_196 : i32
      %add3A_198 = arith.constant 2 : i32
      %add3A_199 = arith.addi %mul3A_197, %add3A_198 : i32
      %ge3A_200 = arith.constant 2 : i32
      %ge3A_201 = arith.cmpi sge, %add3A_199, %ge3A_200 : i32
      %convert_element_type3A_202 = arith.extui %ge3A_201 : i1 to i32
      %cond3A_203 = arith.constant 0 : i32
      %cond3A_204 = arith.cmpi ne, %convert_element_type3A_202, %cond3A_203 : i32
      scf.if %cond3A_204 {
        %add3A_312 = arith.constant 0 : i32
        %add3A_313 = arith.addi %mul3A_2, %add3A_312 : i32
        %shift_right_arithmetic3A_314 = arith.constant 5 : i32
        %shift_right_arithmetic3A_315 = arith.shrsi %add3A_313, %shift_right_arithmetic3A_314 : i32
        %shift_left3A_316 = arith.constant 11 : i32
        %shift_left3A_317 = arith.shli %shift_right_arithmetic3A_315, %shift_left3A_316 : i32
        %and3A_318 = arith.constant 15 : i32
        %and3A_319 = arith.andi %add3A_313, %and3A_318 : i32
        %shift_left3A_320 = arith.constant 7 : i32
        %shift_left3A_321 = arith.shli %and3A_319, %shift_left3A_320 : i32
        %add3A_322 = arith.addi %shift_left3A_317, %shift_left3A_321 : i32
        %shift_right_arithmetic3A_323 = arith.constant 4 : i32
        %shift_right_arithmetic3A_324 = arith.shrsi %add3A_313, %shift_right_arithmetic3A_323 : i32
        %and3A_325 = arith.constant 1 : i32
        %and3A_326 = arith.andi %shift_right_arithmetic3A_324, %and3A_325 : i32
        %mul3A_327 = arith.constant 64 : i32
        %mul3A_328 = arith.muli %and3A_326, %mul3A_327 : i32
        %dma_wait3A_329 = arith.constant 0 : i32
        %dma_wait3A_330 = arith.constant 0 : i32
        %dma_wait3A_331 = arith.constant 0 : i32
        %dma_wait3A_332 = tpu.memref_slice %arg6[%dma_wait3A_329, %dma_wait3A_330, %dma_wait3A_331] : memref<4x128x64xf32, #tpu.memory_space<vmem>> -> memref<1x128x64xf32, #tpu.memory_space<vmem>>
        %dma_wait3A_333 = tpu.memref_squeeze %dma_wait3A_332 : memref<1x128x64xf32, #tpu.memory_space<vmem>> -> memref<128x64xf32, #tpu.memory_space<vmem>>
        %dma_wait3A_334 = tpu.memref_slice %arg4[%add3A_322, %mul3A_328] : memref<409600x128xf32, #tpu.memory_space<hbm>> -> memref<128x64xf32, #tpu.memory_space<hbm>>
        %dma_wait3A_335 = tpu.memref_slice %arg4[%add3A_322, %mul3A_328] : memref<409600x128xf32, #tpu.memory_space<hbm>> -> memref<128x64xf32, #tpu.memory_space<hbm>>
        %dma_wait3A_336 = arith.constant 0 : i32
        %dma_wait3A_337 = arith.constant 0 : i32
        %dma_wait3A_338 = tpu.memref_slice %arg6[%dma_wait3A_329, %dma_wait3A_336, %dma_wait3A_337] : memref<4x128x64xf32, #tpu.memory_space<vmem>> -> memref<1x128x64xf32, #tpu.memory_space<vmem>>
        %dma_wait3A_339 = tpu.memref_squeeze %dma_wait3A_338 : memref<1x128x64xf32, #tpu.memory_space<vmem>> -> memref<128x64xf32, #tpu.memory_space<vmem>>
        tpu.wait_dma2 semaphore(%arg11 : memref<!tpu.dma_semaphore, #tpu.memory_space<semaphore_mem>>) src(%dma_wait3A_339 : memref<128x64xf32, #tpu.memory_space<vmem>>) dst(%dma_wait3A_335 : memref<128x64xf32, #tpu.memory_space<hbm>>)
      } else {
      }
      %add3A_205 = arith.constant 2 : i32
      %add3A_206 = arith.addi %add3A_199, %add3A_205 : i32
      %lt3A_207 = arith.constant 200 : i32
      %lt3A_208 = arith.cmpi slt, %add3A_206, %lt3A_207 : i32
      %convert_element_type3A_209 = arith.extui %lt3A_208 : i1 to i32
      %cond3A_210 = arith.constant 0 : i32
      %cond3A_211 = arith.cmpi ne, %convert_element_type3A_209, %cond3A_210 : i32
      scf.if %cond3A_211 {
        %add3A_312 = arith.constant 2 : i32
        %add3A_313 = arith.addi %add3A_199, %add3A_312 : i32
        %dma_start3A_314 = arith.constant 0 : i32
        %dma_start3A_315 = arith.constant 0 : i32
        %dma_start3A_316 = arith.constant 0 : i32
        %dma_start3A_317 = tpu.memref_slice %arg6[%dma_start3A_314, %dma_start3A_315, %dma_start3A_316] : memref<4x128x64xf32, #tpu.memory_space<vmem>> -> memref<1x128x64xf32, #tpu.memory_space<vmem>>
        %dma_start3A_318 = tpu.memref_squeeze %dma_start3A_317 : memref<1x128x64xf32, #tpu.memory_space<vmem>> -> memref<128x64xf32, #tpu.memory_space<vmem>>
        %dma_start3A_319 = arith.constant 0 : i32
        %dma_start3A_320 = tpu.memref_slice %arg5[%add3A_313, %dma_start3A_319] : memref<200x128xi32, #tpu.memory_space<vmem>> -> memref<1x128xi32, #tpu.memory_space<vmem>>
        %dma_start3A_321 = tpu.memref_squeeze %dma_start3A_320 : memref<1x128xi32, #tpu.memory_space<vmem>> -> memref<128xi32, #tpu.memory_space<vmem>>
        %dma_start3A_322 = arith.constant 0 : i32
        %dma_start3A_323 = arith.constant 0 : i32
        %dma_start3A_324 = tpu.memref_slice %arg2[%dma_start3A_322, %dma_start3A_323] : memref<1007616x64xf32, #tpu.memory_space<hbm>> -> memref<1007616x64xf32, #tpu.memory_space<hbm>>
        tpu.enqueue_indirect_dma source(%dma_start3A_324 : memref<1007616x64xf32, #tpu.memory_space<hbm>>) target(%dma_start3A_318 : memref<128x64xf32, #tpu.memory_space<vmem>>) offsets(%dma_start3A_321 : memref<128xi32, #tpu.memory_space<vmem>>) semaphore(%arg7 : memref<!tpu.dma_semaphore, #tpu.memory_space<semaphore_mem>>)
      } else {
      }
      %dma_wait3A_212 = arith.constant 2 : i32
      %dma_wait3A_213 = arith.constant 0 : i32
      %dma_wait3A_214 = arith.constant 0 : i32
      %dma_wait3A_215 = tpu.memref_slice %arg6[%dma_wait3A_212, %dma_wait3A_213, %dma_wait3A_214] : memref<4x128x64xf32, #tpu.memory_space<vmem>> -> memref<1x128x64xf32, #tpu.memory_space<vmem>>
      %dma_wait3A_216 = tpu.memref_squeeze %dma_wait3A_215 : memref<1x128x64xf32, #tpu.memory_space<vmem>> -> memref<128x64xf32, #tpu.memory_space<vmem>>
      %dma_wait3A_217 = arith.constant 0 : i32
      %dma_wait3A_218 = arith.constant 0 : i32
      %dma_wait3A_219 = tpu.memref_slice %arg2[%dma_wait3A_217, %dma_wait3A_218] : memref<1007616x64xf32, #tpu.memory_space<hbm>> -> memref<128x64xf32, #tpu.memory_space<hbm>>
      %dma_wait3A_220 = arith.constant 0 : i32
      %dma_wait3A_221 = arith.constant 0 : i32
      %dma_wait3A_222 = tpu.memref_slice %arg6[%dma_wait3A_212, %dma_wait3A_220, %dma_wait3A_221] : memref<4x128x64xf32, #tpu.memory_space<vmem>> -> memref<1x128x64xf32, #tpu.memory_space<vmem>>
      %dma_wait3A_223 = tpu.memref_squeeze %dma_wait3A_222 : memref<1x128x64xf32, #tpu.memory_space<vmem>> -> memref<128x64xf32, #tpu.memory_space<vmem>>
      %dma_wait3A_224 = arith.constant 0 : i32
      %dma_wait3A_225 = arith.constant 0 : i32
      %dma_wait3A_226 = tpu.memref_slice %arg2[%dma_wait3A_224, %dma_wait3A_225] : memref<1007616x64xf32, #tpu.memory_space<hbm>> -> memref<128x64xf32, #tpu.memory_space<hbm>>
      tpu.wait_dma2 semaphore(%arg9 : memref<!tpu.dma_semaphore, #tpu.memory_space<semaphore_mem>>) src(%dma_wait3A_226 : memref<128x64xf32, #tpu.memory_space<hbm>>) dst(%dma_wait3A_223 : memref<128x64xf32, #tpu.memory_space<vmem>>)
      %add3A_227 = arith.addi %mul3A_2, %add3A_199 : i32
      %shift_right_arithmetic3A_228 = arith.constant 5 : i32
      %shift_right_arithmetic3A_229 = arith.shrsi %add3A_227, %shift_right_arithmetic3A_228 : i32
      %shift_left3A_230 = arith.constant 11 : i32
      %shift_left3A_231 = arith.shli %shift_right_arithmetic3A_229, %shift_left3A_230 : i32
      %and3A_232 = arith.constant 15 : i32
      %and3A_233 = arith.andi %add3A_227, %and3A_232 : i32
      %shift_left3A_234 = arith.constant 7 : i32
      %shift_left3A_235 = arith.shli %and3A_233, %shift_left3A_234 : i32
      %add3A_236 = arith.addi %shift_left3A_231, %shift_left3A_235 : i32
      %shift_right_arithmetic3A_237 = arith.constant 4 : i32
      %shift_right_arithmetic3A_238 = arith.shrsi %add3A_227, %shift_right_arithmetic3A_237 : i32
      %and3A_239 = arith.constant 1 : i32
      %and3A_240 = arith.andi %shift_right_arithmetic3A_238, %and3A_239 : i32
      %mul3A_241 = arith.constant 64 : i32
      %mul3A_242 = arith.muli %and3A_240, %mul3A_241 : i32
      %dma_start3A_243 = arith.constant 2 : i32
      %dma_start3A_244 = arith.constant 0 : i32
      %dma_start3A_245 = arith.constant 0 : i32
      %dma_start3A_246 = tpu.memref_slice %arg6[%dma_start3A_243, %dma_start3A_244, %dma_start3A_245] : memref<4x128x64xf32, #tpu.memory_space<vmem>> -> memref<1x128x64xf32, #tpu.memory_space<vmem>>
      %dma_start3A_247 = tpu.memref_squeeze %dma_start3A_246 : memref<1x128x64xf32, #tpu.memory_space<vmem>> -> memref<128x64xf32, #tpu.memory_space<vmem>>
      %dma_start3A_248 = tpu.memref_slice %arg4[%add3A_236, %mul3A_242] : memref<409600x128xf32, #tpu.memory_space<hbm>> -> memref<128x64xf32, #tpu.memory_space<hbm>>
      %dma_start3A_249 = tpu.memref_slice %arg4[%add3A_236, %mul3A_242] : memref<409600x128xf32, #tpu.memory_space<hbm>> -> memref<128x64xf32, #tpu.memory_space<hbm>>
      %dma_start3A_250 = arith.constant 0 : i32
      %dma_start3A_251 = arith.constant 0 : i32
      %dma_start3A_252 = tpu.memref_slice %arg6[%dma_start3A_243, %dma_start3A_250, %dma_start3A_251] : memref<4x128x64xf32, #tpu.memory_space<vmem>> -> memref<1x128x64xf32, #tpu.memory_space<vmem>>
      %dma_start3A_253 = tpu.memref_squeeze %dma_start3A_252 : memref<1x128x64xf32, #tpu.memory_space<vmem>> -> memref<128x64xf32, #tpu.memory_space<vmem>>
      tpu.enqueue_dma source(%dma_start3A_253 : memref<128x64xf32, #tpu.memory_space<vmem>>) target(%dma_start3A_249 : memref<128x64xf32, #tpu.memory_space<hbm>>) target_semaphore(%arg13 : memref<!tpu.dma_semaphore, #tpu.memory_space<semaphore_mem>>)
      %mul3A_254 = arith.constant 4 : i32
      %mul3A_255 = arith.muli %scan3A_83, %mul3A_254 : i32
      %add3A_256 = arith.constant 3 : i32
      %add3A_257 = arith.addi %mul3A_255, %add3A_256 : i32
      %ge3A_258 = arith.constant 2 : i32
      %ge3A_259 = arith.cmpi sge, %add3A_257, %ge3A_258 : i32
      %convert_element_type3A_260 = arith.extui %ge3A_259 : i1 to i32
      %cond3A_261 = arith.constant 0 : i32
      %cond3A_262 = arith.cmpi ne, %convert_element_type3A_260, %cond3A_261 : i32
      scf.if %cond3A_262 {
        %add3A_312 = arith.constant 0 : i32
        %add3A_313 = arith.addi %mul3A_2, %add3A_312 : i32
        %shift_right_arithmetic3A_314 = arith.constant 5 : i32
        %shift_right_arithmetic3A_315 = arith.shrsi %add3A_313, %shift_right_arithmetic3A_314 : i32
        %shift_left3A_316 = arith.constant 11 : i32
        %shift_left3A_317 = arith.shli %shift_right_arithmetic3A_315, %shift_left3A_316 : i32
        %and3A_318 = arith.constant 15 : i32
        %and3A_319 = arith.andi %add3A_313, %and3A_318 : i32
        %shift_left3A_320 = arith.constant 7 : i32
        %shift_left3A_321 = arith.shli %and3A_319, %shift_left3A_320 : i32
        %add3A_322 = arith.addi %shift_left3A_317, %shift_left3A_321 : i32
        %shift_right_arithmetic3A_323 = arith.constant 4 : i32
        %shift_right_arithmetic3A_324 = arith.shrsi %add3A_313, %shift_right_arithmetic3A_323 : i32
        %and3A_325 = arith.constant 1 : i32
        %and3A_326 = arith.andi %shift_right_arithmetic3A_324, %and3A_325 : i32
        %mul3A_327 = arith.constant 64 : i32
        %mul3A_328 = arith.muli %and3A_326, %mul3A_327 : i32
        %dma_wait3A_329 = arith.constant 1 : i32
        %dma_wait3A_330 = arith.constant 0 : i32
        %dma_wait3A_331 = arith.constant 0 : i32
        %dma_wait3A_332 = tpu.memref_slice %arg6[%dma_wait3A_329, %dma_wait3A_330, %dma_wait3A_331] : memref<4x128x64xf32, #tpu.memory_space<vmem>> -> memref<1x128x64xf32, #tpu.memory_space<vmem>>
        %dma_wait3A_333 = tpu.memref_squeeze %dma_wait3A_332 : memref<1x128x64xf32, #tpu.memory_space<vmem>> -> memref<128x64xf32, #tpu.memory_space<vmem>>
        %dma_wait3A_334 = tpu.memref_slice %arg4[%add3A_322, %mul3A_328] : memref<409600x128xf32, #tpu.memory_space<hbm>> -> memref<128x64xf32, #tpu.memory_space<hbm>>
        %dma_wait3A_335 = tpu.memref_slice %arg4[%add3A_322, %mul3A_328] : memref<409600x128xf32, #tpu.memory_space<hbm>> -> memref<128x64xf32, #tpu.memory_space<hbm>>
        %dma_wait3A_336 = arith.constant 0 : i32
        %dma_wait3A_337 = arith.constant 0 : i32
        %dma_wait3A_338 = tpu.memref_slice %arg6[%dma_wait3A_329, %dma_wait3A_336, %dma_wait3A_337] : memref<4x128x64xf32, #tpu.memory_space<vmem>> -> memref<1x128x64xf32, #tpu.memory_space<vmem>>
        %dma_wait3A_339 = tpu.memref_squeeze %dma_wait3A_338 : memref<1x128x64xf32, #tpu.memory_space<vmem>> -> memref<128x64xf32, #tpu.memory_space<vmem>>
        tpu.wait_dma2 semaphore(%arg12 : memref<!tpu.dma_semaphore, #tpu.memory_space<semaphore_mem>>) src(%dma_wait3A_339 : memref<128x64xf32, #tpu.memory_space<vmem>>) dst(%dma_wait3A_335 : memref<128x64xf32, #tpu.memory_space<hbm>>)
      } else {
      }
      %add3A_263 = arith.constant 2 : i32
      %add3A_264 = arith.addi %add3A_257, %add3A_263 : i32
      %lt3A_265 = arith.constant 200 : i32
      %lt3A_266 = arith.cmpi slt, %add3A_264, %lt3A_265 : i32
      %convert_element_type3A_267 = arith.extui %lt3A_266 : i1 to i32
      %cond3A_268 = arith.constant 0 : i32
      %cond3A_269 = arith.cmpi ne, %convert_element_type3A_267, %cond3A_268 : i32
      scf.if %cond3A_269 {
        %add3A_312 = arith.constant 2 : i32
        %add3A_313 = arith.addi %add3A_257, %add3A_312 : i32
        %dma_start3A_314 = arith.constant 1 : i32
        %dma_start3A_315 = arith.constant 0 : i32
        %dma_start3A_316 = arith.constant 0 : i32
        %dma_start3A_317 = tpu.memref_slice %arg6[%dma_start3A_314, %dma_start3A_315, %dma_start3A_316] : memref<4x128x64xf32, #tpu.memory_space<vmem>> -> memref<1x128x64xf32, #tpu.memory_space<vmem>>
        %dma_start3A_318 = tpu.memref_squeeze %dma_start3A_317 : memref<1x128x64xf32, #tpu.memory_space<vmem>> -> memref<128x64xf32, #tpu.memory_space<vmem>>
        %dma_start3A_319 = arith.constant 0 : i32
        %dma_start3A_320 = tpu.memref_slice %arg5[%add3A_313, %dma_start3A_319] : memref<200x128xi32, #tpu.memory_space<vmem>> -> memref<1x128xi32, #tpu.memory_space<vmem>>
        %dma_start3A_321 = tpu.memref_squeeze %dma_start3A_320 : memref<1x128xi32, #tpu.memory_space<vmem>> -> memref<128xi32, #tpu.memory_space<vmem>>
        %dma_start3A_322 = arith.constant 0 : i32
        %dma_start3A_323 = arith.constant 0 : i32
        %dma_start3A_324 = tpu.memref_slice %arg2[%dma_start3A_322, %dma_start3A_323] : memref<1007616x64xf32, #tpu.memory_space<hbm>> -> memref<1007616x64xf32, #tpu.memory_space<hbm>>
        tpu.enqueue_indirect_dma source(%dma_start3A_324 : memref<1007616x64xf32, #tpu.memory_space<hbm>>) target(%dma_start3A_318 : memref<128x64xf32, #tpu.memory_space<vmem>>) offsets(%dma_start3A_321 : memref<128xi32, #tpu.memory_space<vmem>>) semaphore(%arg8 : memref<!tpu.dma_semaphore, #tpu.memory_space<semaphore_mem>>)
      } else {
      }
      %dma_wait3A_270 = arith.constant 3 : i32
      %dma_wait3A_271 = arith.constant 0 : i32
      %dma_wait3A_272 = arith.constant 0 : i32
      %dma_wait3A_273 = tpu.memref_slice %arg6[%dma_wait3A_270, %dma_wait3A_271, %dma_wait3A_272] : memref<4x128x64xf32, #tpu.memory_space<vmem>> -> memref<1x128x64xf32, #tpu.memory_space<vmem>>
      %dma_wait3A_274 = tpu.memref_squeeze %dma_wait3A_273 : memref<1x128x64xf32, #tpu.memory_space<vmem>> -> memref<128x64xf32, #tpu.memory_space<vmem>>
      %dma_wait3A_275 = arith.constant 0 : i32
      %dma_wait3A_276 = arith.constant 0 : i32
      %dma_wait3A_277 = tpu.memref_slice %arg2[%dma_wait3A_275, %dma_wait3A_276] : memref<1007616x64xf32, #tpu.memory_space<hbm>> -> memref<128x64xf32, #tpu.memory_space<hbm>>
      %dma_wait3A_278 = arith.constant 0 : i32
      %dma_wait3A_279 = arith.constant 0 : i32
      %dma_wait3A_280 = tpu.memref_slice %arg6[%dma_wait3A_270, %dma_wait3A_278, %dma_wait3A_279] : memref<4x128x64xf32, #tpu.memory_space<vmem>> -> memref<1x128x64xf32, #tpu.memory_space<vmem>>
      %dma_wait3A_281 = tpu.memref_squeeze %dma_wait3A_280 : memref<1x128x64xf32, #tpu.memory_space<vmem>> -> memref<128x64xf32, #tpu.memory_space<vmem>>
      %dma_wait3A_282 = arith.constant 0 : i32
      %dma_wait3A_283 = arith.constant 0 : i32
      %dma_wait3A_284 = tpu.memref_slice %arg2[%dma_wait3A_282, %dma_wait3A_283] : memref<1007616x64xf32, #tpu.memory_space<hbm>> -> memref<128x64xf32, #tpu.memory_space<hbm>>
      tpu.wait_dma2 semaphore(%arg10 : memref<!tpu.dma_semaphore, #tpu.memory_space<semaphore_mem>>) src(%dma_wait3A_284 : memref<128x64xf32, #tpu.memory_space<hbm>>) dst(%dma_wait3A_281 : memref<128x64xf32, #tpu.memory_space<vmem>>)
      %add3A_285 = arith.addi %mul3A_2, %add3A_257 : i32
      %shift_right_arithmetic3A_286 = arith.constant 5 : i32
      %shift_right_arithmetic3A_287 = arith.shrsi %add3A_285, %shift_right_arithmetic3A_286 : i32
      %shift_left3A_288 = arith.constant 11 : i32
      %shift_left3A_289 = arith.shli %shift_right_arithmetic3A_287, %shift_left3A_288 : i32
      %and3A_290 = arith.constant 15 : i32
      %and3A_291 = arith.andi %add3A_285, %and3A_290 : i32
      %shift_left3A_292 = arith.constant 7 : i32
      %shift_left3A_293 = arith.shli %and3A_291, %shift_left3A_292 : i32
      %add3A_294 = arith.addi %shift_left3A_289, %shift_left3A_293 : i32
      %shift_right_arithmetic3A_295 = arith.constant 4 : i32
      %shift_right_arithmetic3A_296 = arith.shrsi %add3A_285, %shift_right_arithmetic3A_295 : i32
      %and3A_297 = arith.constant 1 : i32
      %and3A_298 = arith.andi %shift_right_arithmetic3A_296, %and3A_297 : i32
      %mul3A_299 = arith.constant 64 : i32
      %mul3A_300 = arith.muli %and3A_298, %mul3A_299 : i32
      %dma_start3A_301 = arith.constant 3 : i32
      %dma_start3A_302 = arith.constant 0 : i32
      %dma_start3A_303 = arith.constant 0 : i32
      %dma_start3A_304 = tpu.memref_slice %arg6[%dma_start3A_301, %dma_start3A_302, %dma_start3A_303] : memref<4x128x64xf32, #tpu.memory_space<vmem>> -> memref<1x128x64xf32, #tpu.memory_space<vmem>>
      %dma_start3A_305 = tpu.memref_squeeze %dma_start3A_304 : memref<1x128x64xf32, #tpu.memory_space<vmem>> -> memref<128x64xf32, #tpu.memory_space<vmem>>
      %dma_start3A_306 = tpu.memref_slice %arg4[%add3A_294, %mul3A_300] : memref<409600x128xf32, #tpu.memory_space<hbm>> -> memref<128x64xf32, #tpu.memory_space<hbm>>
      %dma_start3A_307 = tpu.memref_slice %arg4[%add3A_294, %mul3A_300] : memref<409600x128xf32, #tpu.memory_space<hbm>> -> memref<128x64xf32, #tpu.memory_space<hbm>>
      %dma_start3A_308 = arith.constant 0 : i32
      %dma_start3A_309 = arith.constant 0 : i32
      %dma_start3A_310 = tpu.memref_slice %arg6[%dma_start3A_301, %dma_start3A_308, %dma_start3A_309] : memref<4x128x64xf32, #tpu.memory_space<vmem>> -> memref<1x128x64xf32, #tpu.memory_space<vmem>>
      %dma_start3A_311 = tpu.memref_squeeze %dma_start3A_310 : memref<1x128x64xf32, #tpu.memory_space<vmem>> -> memref<128x64xf32, #tpu.memory_space<vmem>>
      tpu.enqueue_dma source(%dma_start3A_311 : memref<128x64xf32, #tpu.memory_space<vmem>>) target(%dma_start3A_307 : memref<128x64xf32, #tpu.memory_space<hbm>>) target_semaphore(%arg14 : memref<!tpu.dma_semaphore, #tpu.memory_space<semaphore_mem>>)
    }
    %scan3A_30 = arith.constant 50 : i32
    %add3A_31 = arith.constant 0 : i32
    %add3A_32 = arith.addi %mul3A_2, %add3A_31 : i32
    %shift_right_arithmetic3A = arith.constant 5 : i32
    %shift_right_arithmetic3A_33 = arith.shrsi %add3A_32, %shift_right_arithmetic3A : i32
    %shift_left3A = arith.constant 11 : i32
    %shift_left3A_34 = arith.shli %shift_right_arithmetic3A_33, %shift_left3A : i32
    %and3A = arith.constant 15 : i32
    %and3A_35 = arith.andi %add3A_32, %and3A : i32
    %shift_left3A_36 = arith.constant 7 : i32
    %shift_left3A_37 = arith.shli %and3A_35, %shift_left3A_36 : i32
    %add3A_38 = arith.addi %shift_left3A_34, %shift_left3A_37 : i32
    %shift_right_arithmetic3A_39 = arith.constant 4 : i32
    %shift_right_arithmetic3A_40 = arith.shrsi %add3A_32, %shift_right_arithmetic3A_39 : i32
    %and3A_41 = arith.constant 1 : i32
    %and3A_42 = arith.andi %shift_right_arithmetic3A_40, %and3A_41 : i32
    %mul3A_43 = arith.constant 64 : i32
    %mul3A_44 = arith.muli %and3A_42, %mul3A_43 : i32
    %dma_wait3A = arith.constant 2 : i32
    %dma_wait3A_45 = arith.constant 0 : i32
    %dma_wait3A_46 = arith.constant 0 : i32
    %dma_wait3A_47 = tpu.memref_slice %arg6[%dma_wait3A, %dma_wait3A_45, %dma_wait3A_46] : memref<4x128x64xf32, #tpu.memory_space<vmem>> -> memref<1x128x64xf32, #tpu.memory_space<vmem>>
    %dma_wait3A_48 = tpu.memref_squeeze %dma_wait3A_47 : memref<1x128x64xf32, #tpu.memory_space<vmem>> -> memref<128x64xf32, #tpu.memory_space<vmem>>
    %dma_wait3A_49 = tpu.memref_slice %arg4[%add3A_38, %mul3A_44] : memref<409600x128xf32, #tpu.memory_space<hbm>> -> memref<128x64xf32, #tpu.memory_space<hbm>>
    %dma_wait3A_50 = tpu.memref_slice %arg4[%add3A_38, %mul3A_44] : memref<409600x128xf32, #tpu.memory_space<hbm>> -> memref<128x64xf32, #tpu.memory_space<hbm>>
    %dma_wait3A_51 = arith.constant 0 : i32
    %dma_wait3A_52 = arith.constant 0 : i32
    %dma_wait3A_53 = tpu.memref_slice %arg6[%dma_wait3A, %dma_wait3A_51, %dma_wait3A_52] : memref<4x128x64xf32, #tpu.memory_space<vmem>> -> memref<1x128x64xf32, #tpu.memory_space<vmem>>
    %dma_wait3A_54 = tpu.memref_squeeze %dma_wait3A_53 : memref<1x128x64xf32, #tpu.memory_space<vmem>> -> memref<128x64xf32, #tpu.memory_space<vmem>>
    tpu.wait_dma2 semaphore(%arg13 : memref<!tpu.dma_semaphore, #tpu.memory_space<semaphore_mem>>) src(%dma_wait3A_54 : memref<128x64xf32, #tpu.memory_space<vmem>>) dst(%dma_wait3A_50 : memref<128x64xf32, #tpu.memory_space<hbm>>)
    %add3A_55 = arith.constant 0 : i32
    %add3A_56 = arith.addi %mul3A_2, %add3A_55 : i32
    %shift_right_arithmetic3A_57 = arith.constant 5 : i32
    %shift_right_arithmetic3A_58 = arith.shrsi %add3A_56, %shift_right_arithmetic3A_57 : i32
    %shift_left3A_59 = arith.constant 11 : i32
    %shift_left3A_60 = arith.shli %shift_right_arithmetic3A_58, %shift_left3A_59 : i32
    %and3A_61 = arith.constant 15 : i32
    %and3A_62 = arith.andi %add3A_56, %and3A_61 : i32
    %shift_left3A_63 = arith.constant 7 : i32
    %shift_left3A_64 = arith.shli %and3A_62, %shift_left3A_63 : i32
    %add3A_65 = arith.addi %shift_left3A_60, %shift_left3A_64 : i32
    %shift_right_arithmetic3A_66 = arith.constant 4 : i32
    %shift_right_arithmetic3A_67 = arith.shrsi %add3A_56, %shift_right_arithmetic3A_66 : i32
    %and3A_68 = arith.constant 1 : i32
    %and3A_69 = arith.andi %shift_right_arithmetic3A_67, %and3A_68 : i32
    %mul3A_70 = arith.constant 64 : i32
    %mul3A_71 = arith.muli %and3A_69, %mul3A_70 : i32
    %dma_wait3A_72 = arith.constant 3 : i32
    %dma_wait3A_73 = arith.constant 0 : i32
    %dma_wait3A_74 = arith.constant 0 : i32
    %dma_wait3A_75 = tpu.memref_slice %arg6[%dma_wait3A_72, %dma_wait3A_73, %dma_wait3A_74] : memref<4x128x64xf32, #tpu.memory_space<vmem>> -> memref<1x128x64xf32, #tpu.memory_space<vmem>>
    %dma_wait3A_76 = tpu.memref_squeeze %dma_wait3A_75 : memref<1x128x64xf32, #tpu.memory_space<vmem>> -> memref<128x64xf32, #tpu.memory_space<vmem>>
    %dma_wait3A_77 = tpu.memref_slice %arg4[%add3A_65, %mul3A_71] : memref<409600x128xf32, #tpu.memory_space<hbm>> -> memref<128x64xf32, #tpu.memory_space<hbm>>
    %dma_wait3A_78 = tpu.memref_slice %arg4[%add3A_65, %mul3A_71] : memref<409600x128xf32, #tpu.memory_space<hbm>> -> memref<128x64xf32, #tpu.memory_space<hbm>>
    %dma_wait3A_79 = arith.constant 0 : i32
    %dma_wait3A_80 = arith.constant 0 : i32
    %dma_wait3A_81 = tpu.memref_slice %arg6[%dma_wait3A_72, %dma_wait3A_79, %dma_wait3A_80] : memref<4x128x64xf32, #tpu.memory_space<vmem>> -> memref<1x128x64xf32, #tpu.memory_space<vmem>>
    %dma_wait3A_82 = tpu.memref_squeeze %dma_wait3A_81 : memref<1x128x64xf32, #tpu.memory_space<vmem>> -> memref<128x64xf32, #tpu.memory_space<vmem>>
    tpu.wait_dma2 semaphore(%arg14 : memref<!tpu.dma_semaphore, #tpu.memory_space<semaphore_mem>>) src(%dma_wait3A_82 : memref<128x64xf32, #tpu.memory_space<vmem>>) dst(%dma_wait3A_78 : memref<128x64xf32, #tpu.memory_space<hbm>>)
    return
  }
}

module attributes {stable_mosaic.version = 14 : i64} {
  func.func @_linearize_body(%arg0: i32, %arg1: memref<64x8192xf32, #tpu.memory_space<vmem>>, %arg2: memref<4096x128xf32, #tpu.memory_space<vmem>>) attributes {dimension_semantics = [#tpu.dimension_semantics<arbitrary>], iteration_bounds = array<i64: 123>, scalar_prefetch = 0 : i64, scratch_operands = 0 : i64, tpu.core_type = #tpu.core_type<tc>, window_params = [{transform_indices = @transform_0, window_bounds = array<i64: 64, 8192>}, {transform_indices = @transform_1, window_bounds = array<i64: 4096, 128>}]} {
    %get3A = arith.constant 0 : index
    %get3A_0 = arith.constant 0 : index
    %get3A_1 = vector.load %arg1[%get3A, %get3A_0] : memref<64x8192xf32, #tpu.memory_space<vmem>>, vector<64x8192xf32>
    %transpose3A = tpu.transpose %get3A_1, [1, 0] : vector<64x8192xf32> -> vector<8192x64xf32>
    %slice3A = vector.extract_strided_slice %transpose3A {offsets = [0, 0], sizes = [4096, 64], strides = [1, 1]} : vector<8192x64xf32> to vector<4096x64xf32>
    %slice3A_2 = vector.extract_strided_slice %transpose3A {offsets = [4096, 0], sizes = [4096, 64], strides = [1, 1]} : vector<8192x64xf32> to vector<4096x64xf32>
    %concatenate3A = tpu.concatenate %slice3A, %slice3A_2 in 1 : vector<4096x64xf32>, vector<4096x64xf32> -> vector<4096x128xf32>
    %swap3A = arith.constant 0 : index
    %swap3A_3 = arith.constant 0 : index
    %swap3A_4 = vector.load %arg2[%swap3A, %swap3A_3] : memref<4096x128xf32, #tpu.memory_space<vmem>>, vector<4096x128xf32>
    tpu.vector_store %arg2[%swap3A, %swap3A_3], %concatenate3A {strides = array<i32>} : memref<4096x128xf32, #tpu.memory_space<vmem>>, vector<4096x128xf32>,
    return
  }
  func.func @transform_0(%arg0: i32) -> (i32, i32) {
    %c0_i32 = arith.constant 0 : i32
    %c0_i32_0 = arith.constant 0 : i32
    return %c0_i32, %arg0 : i32, i32
  }
  func.func @transform_1(%arg0: i32) -> (i32, i32) {
    %c0_i32 = arith.constant 0 : i32
    %c0_i32_0 = arith.constant 0 : i32
    return %arg0, %c0_i32 : i32, i32
  }
}

module attributes {stable_mosaic.version = 14 : i64} {
  func.func @_blend_body(%arg0: i32, %arg1: memref<2048x128xf32, #tpu.memory_space<vmem>>, %arg2: memref<2048xf32, #tpu.memory_space<vmem>>, %arg3: memref<2048xf32, #tpu.memory_space<vmem>>, %arg4: memref<128x128xf32, #tpu.memory_space<vmem>>, %arg5: memref<1x128xf32, #tpu.memory_space<vmem>>, %arg6: memref<4096x64xf32, #tpu.memory_space<vmem>>) attributes {dimension_semantics = [#tpu.dimension_semantics<arbitrary>], iteration_bounds = array<i64: 200>, scalar_prefetch = 0 : i64, scratch_operands = 0 : i64, tpu.core_type = #tpu.core_type<tc>, window_params = [{transform_indices = @transform_0, window_bounds = array<i64: 2048, 128>}, {transform_indices = @transform_1, window_bounds = array<i64: 2048>}, {transform_indices = @transform_2, window_bounds = array<i64: 2048>}, {pipeline_mode = #tpu.pipeline_mode<synchronous>, transform_indices = @transform_3, window_bounds = array<i64: 128, 128>}, {pipeline_mode = #tpu.pipeline_mode<synchronous>, transform_indices = @transform_4, window_bounds = array<i64: 1, 128>}, {transform_indices = @transform_5, window_bounds = array<i64: 4096, 64>}]} {
    %get3A = arith.constant 0 : index
    %get3A_0 = arith.constant 0 : index
    %get3A_1 = vector.load %arg1[%get3A, %get3A_0] : memref<2048x128xf32, #tpu.memory_space<vmem>>, vector<2048x128xf32>
    %get3A_2 = arith.constant 0 : index
    %get3A_3 = vector.load %arg2[%get3A_2] : memref<2048xf32, #tpu.memory_space<vmem>>, vector<2048xf32>
    %get3A_4 = arith.constant 0 : index
    %get3A_5 = vector.load %arg3[%get3A_4] : memref<2048xf32, #tpu.memory_space<vmem>>, vector<2048xf32>
    %iota3A = tpu.iota {dimensions = array<i32: 1>} : vector<2048x128xi32>
    %broadcast_in_dim3A = vector.shape_cast %get3A_3 : vector<2048xf32> to vector<2048x1xf32>
    %broadcast_in_dim3A_6 = vector.broadcast %broadcast_in_dim3A : vector<2048x1xf32> to vector<2048x128xf32>
    %broadcast_in_dim3A_7 = vector.shape_cast %get3A_5 : vector<2048xf32> to vector<2048x1xf32>
    %broadcast_in_dim3A_8 = vector.broadcast %broadcast_in_dim3A_7 : vector<2048x1xf32> to vector<2048x128xf32>
    %lt3A = arith.constant 64 : i32
    %lt3A_9 = vector.broadcast %lt3A : i32 to vector<2048x128xi32>
    %lt3A_10 = arith.cmpi slt, %iota3A, %lt3A_9 : vector<2048x128xi32>
    %select_n3A = arith.select %lt3A_10, %broadcast_in_dim3A_6, %broadcast_in_dim3A_8 : vector<2048x128xi1>, vector<2048x128xf32>
    %get3A_11 = arith.constant 0 : index
    %get3A_12 = arith.constant 0 : index
    %get3A_13 = vector.load %arg4[%get3A_11, %get3A_12] : memref<128x128xf32, #tpu.memory_space<vmem>>, vector<128x128xf32>
    %dot_general3A = arith.constant dense<0.000000e+00> : vector<2048x128xf32>
    %dot_general3A_14 = tpu.matmul %get3A_1, %get3A_13, %dot_general3A {dimension_numbers = #tpu.dot_dimension_numbers<[1], [0], [0], [1], [0, 0, 1, 1], [], []>, transpose_lhs_hint = false} : vector<2048x128xf32>, vector<128x128xf32>, vector<2048x128xf32> -> vector<2048x128xf32>
    %get3A_15 = arith.constant 0 : index
    %get3A_16 = arith.constant 0 : index
    %get3A_17 = vector.load %arg5[%get3A_15, %get3A_16] : memref<1x128xf32, #tpu.memory_space<vmem>>, vector<1x128xf32>
    %add3A = vector.broadcast %get3A_17 : vector<1x128xf32> to vector<2048x128xf32>
    %add3A_18 = arith.addf %dot_general3A_14, %add3A : vector<2048x128xf32>
    %mul3A = arith.mulf %select_n3A, %add3A_18 : vector<2048x128xf32>
    %add3A_19 = arith.addf %get3A_1, %mul3A : vector<2048x128xf32>
    %slice3A = vector.extract_strided_slice %add3A_19 {offsets = [0, 0], sizes = [2048, 64], strides = [1, 1]} : vector<2048x128xf32> to vector<2048x64xf32>
    %slice3A_20 = vector.extract_strided_slice %add3A_19 {offsets = [0, 64], sizes = [2048, 64], strides = [1, 1]} : vector<2048x128xf32> to vector<2048x64xf32>
    %concatenate3A = tpu.concatenate %slice3A, %slice3A_20 in 0 : vector<2048x64xf32>, vector<2048x64xf32> -> vector<4096x64xf32>
    %swap3A = arith.constant 0 : index
    %swap3A_21 = arith.constant 0 : index
    %swap3A_22 = vector.load %arg6[%swap3A, %swap3A_21] : memref<4096x64xf32, #tpu.memory_space<vmem>>, vector<4096x64xf32>
    tpu.vector_store %arg6[%swap3A, %swap3A_21], %concatenate3A {strides = array<i32>} : memref<4096x64xf32, #tpu.memory_space<vmem>>, vector<4096x64xf32>,
    return
  }
  func.func @transform_0(%arg0: i32) -> (i32, i32) {
    %c0_i32 = arith.constant 0 : i32
    %c0_i32_0 = arith.constant 0 : i32
    return %arg0, %c0_i32 : i32, i32
  }
  func.func @transform_1(%arg0: i32) -> i32 {
    %mul3A = arith.constant 2 : i32
    %mul3A_0 = arith.muli %mul3A, %arg0 : i32
    %c0_i32 = arith.constant 0 : i32
    return %mul3A_0 : i32
  }
  func.func @transform_2(%arg0: i32) -> i32 {
    %mul3A = arith.constant 2 : i32
    %mul3A_0 = arith.muli %mul3A, %arg0 : i32
    %add3A = arith.constant 1 : i32
    %add3A_1 = arith.addi %mul3A_0, %add3A : i32
    %c0_i32 = arith.constant 0 : i32
    return %add3A_1 : i32
  }
  func.func @transform_3(%arg0: i32) -> (i32, i32) {
    %c0_i32 = arith.constant 0 : i32
    %c0_i32_0 = arith.constant 0 : i32
    %c0_i32_1 = arith.constant 0 : i32
    return %c0_i32, %c0_i32_0 : i32, i32
  }
  func.func @transform_4(%arg0: i32) -> (i32, i32) {
    %c0_i32 = arith.constant 0 : i32
    %c0_i32_0 = arith.constant 0 : i32
    %c0_i32_1 = arith.constant 0 : i32
    return %c0_i32, %c0_i32_0 : i32, i32
  }
  func.func @transform_5(%arg0: i32) -> (i32, i32) {
    %c0_i32 = arith.constant 0 : i32
    %c0_i32_0 = arith.constant 0 : i32
    return %arg0, %c0_i32 : i32, i32
  }
}

</mosaic_0001>

<sc_bundles>
// kernel: kernel.5.cloned.1.call-start
scs
__scs_entry_jumppad:
0x0: {  	(pc) =	sbr.rel $0x88, $3  }
0x1: {  	(tag) =	ssettag $0x0;
	lr =	simm.s32 $0x1  }
0x2: {  	[smem:$0x3F9C] =	sst lr;
	_ =	strace $0xD0000000  }
0x3: {  	_ = 	snop  }
0x4: {  	_ = 	snop  }
0x5: {  	_ = 	snop  }
0x6: {  	_ = 	snop  }
0x7: {  	_ = 	snop  }
__scs_overlays_trampoline_lowered:
0x8: {  	[smem:$0x3FAB] =	sst s0  }
0x9: {  	[smem:$0x3FAC] =	sst s1  }
0xa: {  	[smem:$0x3FAD] =	sst s2  }
0xb: {  	[smem:$0x3FAE] =	sst s3  }
0xc: {  	[smem:$0x3FAF] =	sst s4  }
0xd: {  	[smem:$0x3FB0] =	sst s5  }
0xe: {  	[smem:$0x3FB1] =	sst s6  }
0xf: {  	[smem:$0x3FB2] =	sst s7  }
0x10: {  	[smem:$0x3FB3] =	sst s8  }
0x11: {  	[smem:$0x3FB4] =	sst s9;
	s0 =	simm.s32 @!p0 $0x0  }
0x12: {  	s1 =	sld [smem:$0x3F9A];
	s0 =	simm.s32 @p0 $0x1  }
0x13: {  	[smem:$0x3FB5] =	sst s0;
	s0 =	simm.s32 @!p1 $0x0  }
0x14: {  	s2 =	sld [smem:$0x3F99];
	s0 =	simm.s32 @p1 $0x1  }
0x15: {  	[smem:$0x3FB6] =	sst s0;
	s0 =	simm.s32 @!p2 $0x0  }
0x16: {  	s3 =	sld [smem:$0x3FDB];
	s0 =	simm.s32 @p2 $0x1  }
0x17: {  	s4 =	simm.s32 $0x1BF5;
	[smem:$0x3FB8] =	sst s0  }
0x18: {  	s0 =	sld [smem:$0x3F9B];
	_ =	swait.ge [sflag:s4], $0x0  }
0x19: {  	s7 =	sld [smem:$0x3F9C]  }
0x1a: {  	s8 =	sadd.s32 $0xFFFFE003, lr  }
0x1b: {  	s9 =	sadd.s32 $0xFFFFFEF7, lr;
	s5 =	simm.s32 $0xFFFFFFFF;
	p2 =	slt.u32 s8, $0xFFFFF086  }
0x1c: {  	p1 =	slt.u32 s9, $0xF7A;
	s5 =	simm.s32 @!p2 $0x0  }
0x1d: {  	s5 =	simm.s32 @p1 $0x1;
	p0 =	seq.s32 s7, s2  }
0x1e: {  	s7 =	smul.u32 @!p0 $0xF7A, s2;
	p2 =	seq.s32 @!p0 s5, $0x0  }
0x1f: {  	s9 =	smul.u32 $0xF7A, s1;
	s8 =	simm.s32 @!p0 $0x1BF5;
	p2 =	por !p2, p0  }
0x20: {  	[sflag:s8] =	ssyncset.s32 @!p0 $0xFFFFF086;
	s6 =	sadd.s32 @!p0 s3, s7;
	s7 =	simm.s32 @!p0 $0x108  }
0x21: {  	s3 =	sadd.s32 s3, s9;
	s6 =	sadd.s32 @!p0 $0x88, s6;
	s7 =	simm.s32 @p2 $0x1082  }
0x22: {  	[simem:s7], [sflag:s8] =	dma.local @!p0 [hbm:s6], $0xF7A  }
0x23: {  	s9 =	sor.u32 $0xD0000000, s2;
	s6 =	simm.s32 $0x108;
	_ =	swait.ge @!p0 [sflag:s8], $0x0  }
0x24: {  	s3 =	sadd.s32 $0x88, s3;
	s6 =	simm.s32 @!p1 $0x1082;
	[sflag:s4] =	ssyncset.s32 $0xFFFFF086  }
0x25: {  	[simem:s6], [sflag:s4] =	dma.local [hbm:s3], $0xF7A  }
0x26: {  	[smem:$0x3F9C] =	sst s1;
	(tag) =	ssettag s2;
	_ =	strace s9  }
0x27: {  	s1 =	sld [smem:$0x3FAC]  }
0x28: {  	s2 =	sld [smem:$0x3FAD]  }
0x29: {  	s4 =	sld [smem:$0x3FAF]  }
0x2a: {  	p0 =	seq.s32 s5, $0x0;
	s5 =	sld [smem:$0x3FB0]  }
0x2b: {  	s6 =	sld [smem:$0x3FB1]  }
0x2c: {  	s7 =	sld [smem:$0x3FB2]  }
0x2d: {  	s3 =	simm.s32 $0x108;
	s8 =	sld [smem:$0x3FB3]  }
0x2e: {  	s3 =	simm.s32 @!p0 $0x1082;
	s9 =	sld [smem:$0x3FB4]  }
0x2f: {  	lr =	sadd.s32 s0, s3;
	s0 =	sld [smem:$0x3FAB]  }
0x30: {  	s3 =	sld [smem:$0x3FAE]  }
0x31: {  	[smem:$0x3FB7] =	sst s10  }
0x32: {  	s10 =	sld [smem:$0x3FB5];
	_ =	sdelay $0x3  }
0x33: {  	p0 =	seq.s32 s10, $0x1;
	s10 =	sld [smem:$0x3FB7];
	_ =	sdelay $0x3  }
0x34: {  	[smem:$0x3FB7] =	sst s10  }
0x35: {  	s10 =	sld [smem:$0x3FB6];
	_ =	sdelay $0x3  }
0x36: {  	p1 =	seq.s32 s10, $0x1;
	s10 =	sld [smem:$0x3FB7];
	_ =	sdelay $0x3  }
0x37: {  	[smem:$0x3FB7] =	sst s10  }
0x38: {  	s10 =	sld [smem:$0x3FB8]  }
0x39: {  	_ = 	snop;
	(pc) =	sbr.ind lr, $3  }
0x3a: {  	_ = 	snop  }
0x3b: {  	_ = 	snop  }
0x3c: {  	p2 =	seq.s32 s10, $0x1;
	s10 =	sld [smem:$0x3FB7]  }
0x3d: {  	_ =	shalt  }
0x3e: {  	_ =	shalt  }
0x3f: {  	_ =	shalt  }
0x40: {  	_ =	shalt  }
0x41: {  	_ =	shalt  }
0x42: {  	_ =	shalt  }
0x43: {  	_ =	shalt  }
0x44: {  	_ =	shalt  }
0x45: {  	_ =	shalt  }
0x46: {  	_ =	shalt  }
0x47: {  	_ =	shalt  }
0x48: {  	_ =	shalt  }
0x49: {  	_ =	shalt  }
0x4a: {  	_ =	shalt  }
0x4b: {  	_ =	shalt  }
0x4c: {  	_ =	shalt  }
0x4d: {  	_ =	shalt  }
0x4e: {  	_ =	shalt  }
0x4f: {  	_ =	shalt  }
0x50: {  	_ =	shalt  }
0x51: {  	_ =	shalt  }
0x52: {  	_ =	shalt  }
0x53: {  	_ =	shalt  }
0x54: {  	_ =	shalt  }
0x55: {  	_ =	shalt  }
0x56: {  	_ =	shalt  }
0x57: {  	_ =	shalt  }
0x58: {  	_ =	shalt  }
0x59: {  	_ =	shalt  }
0x5a: {  	_ =	shalt  }
0x5b: {  	_ =	shalt  }
0x5c: {  	_ =	shalt  }
0x5d: {  	_ =	shalt  }
0x5e: {  	_ =	shalt  }
0x5f: {  	_ =	shalt  }
0x60: {  	_ =	shalt  }
0x61: {  	_ =	shalt  }
0x62: {  	_ =	shalt  }
0x63: {  	_ =	shalt  }
0x64: {  	_ =	shalt  }
0x65: {  	_ =	shalt  }
0x66: {  	_ =	shalt  }
0x67: {  	_ =	shalt  }
0x68: {  	_ =	shalt  }
0x69: {  	_ =	shalt  }
0x6a: {  	_ =	shalt  }
0x6b: {  	_ =	shalt  }
0x6c: {  	_ =	shalt  }
0x6d: {  	_ =	shalt  }
0x6e: {  	_ =	shalt  }
0x6f: {  	_ =	shalt  }
0x70: {  	_ =	shalt  }
0x71: {  	_ =	shalt  }
0x72: {  	_ =	shalt  }
0x73: {  	_ =	shalt  }
0x74: {  	_ =	shalt  }
0x75: {  	_ =	shalt  }
0x76: {  	_ =	shalt  }
0x77: {  	_ =	shalt  }
0x78: {  	_ =	shalt  }
0x79: {  	_ =	shalt  }
0x7a: {  	_ =	shalt  }
0x7b: {  	_ =	shalt  }
0x7c: {  	_ =	shalt  }
0x7d: {  	_ =	shalt  }
0x7e: {  	_ =	shalt  }
0x7f: {  	_ =	shalt  }
0x80: {  	_ =	shalt  }
0x81: {  	_ =	shalt  }
0x82: {  	_ =	shalt  }
0x83: {  	_ =	shalt  }
0x84: {  	_ =	shalt  }
0x85: {  	_ =	shalt  }
0x86: {  	_ =	shalt  }
0x87: {  	_ =	shalt  }
.Lfunc_end0:
.L_simem_size_0:
called_computation.1_lowered:
.L_overlay_start_0:
0x88: {  	s2 =	sld [smem:$0x3FD9]  }
0x89: {  	s3 =	sld [smem:$0x3FFE];
	_ =	sdelay $0x1  }
0x8a: {  	s1 =	srdreg.scid  }
0x8b: {  	s0 =	sand.u32 $0x1, s1  }
0x8c: {  	s17 =	sshll.u32 s0, $0xA;
	s2 =	sadd.s32 s3, s2  }
0x8d: {  	s2 =	sadd.s32 s2, s17  }
0x8e: {  	[smem:$0x3FC3] =	sst s2  }
0x8f: {  	_ = 	snop  }
0x90: {  	s2 =	sld [smem:$0x3FD0];
	(tm) =	ssettm $0x1  }
0x91: {  	s18 =	sld [smem:$0x3FFB];
	_ =	sdelay $0x3  }
0x92: {  	_ =	strace s18  }
0x93: {  	s3 =	sld [smem:$0x3FFC];
	_ =	sdelay $0x3  }
0x94: {  	_ =	strace s3  }
0x95: {  	s3 =	sld [smem:$0x3FFD];
	_ =	sdelay $0x3  }
0x96: {  	_ =	strace s3  }
0x97: {  	_ =	strace $0x8FFFFFFF  }
0x98: {  	s19 =	sld [smem:$0x3FDB];
	_ =	sdelay $0x1  }
0x99: {  	s4 =	simm.s32 $_scs_section_size  }
0x9a: {  	s5 =	simm.s32 $_size__tile_overlayer_lowered;
	s6 =	simm.s32 $_tile_overlayer_lowered  }
0x9b: {  	s22 =	simm.s32 $0x1BFF;
	s21 =	sshll.u32 s6, $0x1;
	s3 =	sadd.s32 s4, s19  }
0x9c: {  	s7 =	simm.s32 $0x0;
	s20 =	sshll.u32 s5, $0x1;
	s5 =	sadd.s32 s21, s3  }
0x9d: {  	[timem:s7], [sflag:s22] =	dma.local [hbm:s5], s20  }
0x9e: {  	_ =	swait.ge [sflag:s22], s20  }
0x9f: {  	s4 =	ssub.s32 $0x0, s20;
	[sflag:s22] =	ssyncset.done $0x0  }
0xa0: {  	[sflag:s22] =	ssyncadd.s32 s4;
	_ =	sdelay $0x1  }
0xa1: {  	s23 =	simm.s32 $0x1B8B  }
0xa2: {  	_ =	swait.ge [sflag:s23], $0x1  }
0xa3: {  	[sflag:s23] =	ssyncset.done $0x0  }
0xa4: {  	s25 =	simm.s32 $0x1B8E;
	s24 =	sld [smem:$0x3FFE];
	[sflag:s23] =	ssyncadd.s32 $0xFFFFFFFF  }
0xa5: {  	s26 =	simm.s32 $execute0_lowered;
	[smem:$0x3FD2] =	sst s25  }
0xa6: {  	s5 =	sshll.u32 s26, $0x1;
	_ =	strace $0x80000046;
	[dreg:$0x1] =	wrdreg $0xFFFFFFFF  }
0xa7: {  	s28 =	simm.s32 $_size_execute0_lowered;
	s3 =	sadd.s32 s3, s5;
	[dreg:$0x0] =	wrdreg $0x0  }
0xa8: {  	s5 =	sshll.u32 s28, $0x1;
	[dreg:$0x2] =	wrdreg s3  }
0xa9: {  	[dreg:$0x3] =	wrdreg s5  }
0xaa: {  	[dreg:$0x4] =	wrdreg $0xC0  }
0xab: {  	_ =	task [dreg:s7], $0x5FFFF  }
0xac: {  	[dreg:$0x1] =	wrdreg $0xFFFFFFFF  }
0xad: {  	[dreg:$0x0] =	wrdreg $0x60  }
0xae: {  	[dreg:$0x2] =	wrdreg s24  }
0xaf: {  	[dreg:$0x3] =	wrdreg s2  }
0xb0: {  	[dreg:$0x4] =	wrdreg $0x9  }
0xb1: {  	_ =	task.clear_ibuf [dreg:s7], $0x5FFFF;
	_ =	strace $0x90000046  }
0xb2: {  	s29 =	simm.s32 $0x9;
	_ =	strace $0x80000048  }
0xb3: {  	_ =	swait.ge [sflag:s29], $0x1  }
0xb4: {  	[sflag:s29] =	ssyncadd.s32 $0xFFFFFFFF  }
0xb5: {  	_ =	strace $0x90000048  }
0xb6: {  	_ =	sfence  }
0xb7: {  	s30 =	sld [smem:$0x0];
	_ =	sdelay $0x2  }
0xb8: {  	s31 =	sshll.u32 s1, $0xD;
	s1 =	sshrl.u32 s1, $0x2  }
0xb9: {  	s3 =	sand.u32 $0x4000, s31;
	s1 =	sadd.s32 s1, s30  }
0xba: {  	s0 =	sor.u32 s3, s0;
	s1 =	sshll.u32 s1, $0x11  }
0xbb: {  	s0 =	sor.u32 s1, s0  }
0xbc: {  	s0 =	sadd.s32 $0x8F2B, s0  }
0xbd: {  	[sflag:s0] =	ssyncadd.remote.s32 $0x1  }
0xbe: {  	_ =	sfence.sel $0xFFFF  }
0xbf: {  	[dreg:$0x0] =	wrdreg $0xFFFFFFFF;
	(pc) =	sbr.abs _section_cstart, $3  }
0xc0: {  	[dreg:$0x1] =	wrdreg $0xFFFFFFFF  }
0xc1: {  	_ =	task.clear_ibuf [dreg:s7], $0x2FFFF;
	_ =	strace $0x9FFFFFFF  }
0xc2: {  	(tm) =	ssettm $0x7FFFFFFF  }
0xc3: {  	_ =	shalt  }
tec
execute0_lowered:
.L_overlay_start_1:
0x0: {  	(tag) =	ssettag $0x1  }
0x1: {  	s0 =	srdreg.scid;
	s3 =	rddreg [dreg:$0x0]  }
0x2: {  	s11 =	stileid.u32;
	s2 =	rddreg [dreg:$0x1]  }
0x3: {  	s4 =	simm.s32 $0x0;
	s12 =	simm.s32 $0x6400;
	s13 =	simm.s32 $0x8400  }
0x4: {  	s14 =	simm.s32 $0xA400;
	s15 =	simm.s32 $0x1;
	s16 =	simm.s32 $0x40  }
0x5: {  	s17 =	simm.s32 $0xC400;
	s18 =	simm.s32 $0x2;
	s19 =	simm.s32 $0x5  }
0x6: {  	s20 =	simm.s32 $0x3;
	s21 =	simm.s32 $0x6;
	s5 =	smul.u32 $0x640, s11  }
0x7: {  	s22 =	simm.s32 $0x4;
	s25 =	simm.s32 $0x0;
	s8 =	smul.u32 $0x640000, s11  }
0x8: {  	s0 =	sand.u32 $0x1, s0;
	s1 =	sshll.u32 s11, $0x1;
	s11 =	smul.u32 $0x320000, s11  }
0x9: {  	[smem:$0x7FF] =	sst s4;
	s4 =	sadd.s32 $0x19E00, s3;
	s6 =	smul.u32 $0x320, s0  }
0xa: {  	s1 =	sor.u32 s0, s1;
	s7 =	ssub.s32 $0x2, s0;
	s9 =	smul.u32 $0x320000, s0  }
0xb: {  	_ =	strace $0x80000047;
	s1 =	smul.u32 $0xC80, s1;
	s10 =	sshrl.u32 s7, $0x1  }
0xc: {  	s0 =	smul.u32 $0x190000, s0;
	s29 =	ssub.s32 s7, s10;
	s31 =	sadd.s32 s6, s5  }
0xd: {  	s1 =	sadd.s32 s1, s3;
	s30 =	smax.u32 s29, $0x1;
	[dreg:$0x5] =	wrdreg s31  }
0xe: {  	s8 =	sadd.s32 s9, s8;
	s1 =	sadd.s32 $0xE00, s1;
	[dreg:$0x4] =	wrdreg s30  }
0xf: {  	s9 =	sadd.s32 s0, s11;
	s11 =	simm.s32 $0x80;
	[dreg:$0x3] =	wrdreg s1  }
.LBB2_1:
0x10: {  	s0 =	simm.s32 $0x0;
	s1 =	rddreg [dreg:$0x3];
	s6 =	simm.s32 $0x9  }
0x11: {  	[tilespmem:s0], [sflag:$0x9] =	stream.linear.gather [hbm4b:s1+s0], $0x6400, $0x38;
	[tilespmem:$0xE400] =	vst v63  }
0x12: {  	_ =	swait.ge [sflag:s6], $0x6400  }
0x13: {  	p0 =	por $0x1, $0x1;
	s7 =	sand.u32 $0x30000, s8;
	[sflag:s6] =	ssyncset.done $0x0  }
0x14: {  	s3 =	simm.s32 $0x100;
	s5 =	sand.u32 $0x7FFC0000, s9;
	[sflag:s6] =	ssyncadd.s32 $0xFFFF9C00  }
0x15: {  	[tilespmem:s12], [sflag:$0x1] =	stream.indirect.gather [hbm4b:s4+s11], $0x40, s0, s11, $0xb8;
	[tilespmem:$0xE400] =	vst v63  }
0x16: {  	s24 =	sadd.s32 $0x2000, s9;
	s26 =	sadd.s32 $0x4000, s8;
	s0 =	simm.s32 @!p0 $0x7  }
0x17: {  	[tilespmem:s13], [sflag:$0x2] =	stream.indirect.gather [hbm4b:s4+s11], $0x40, s11, s11, $0xb8;
	[tilespmem:$0xE400] =	vst v63  }
0x18: {  	s31 =	simm.s32 $0x180;
	p1 =	por $0x0, $0x0;
	_ =	swait.ge @!p0 [sflag:s0], $0x2000  }
0x19: {  	s10 =	sor.u32 s7, s5;
	[sflag:s0] =	ssyncset.done @!p0 $0x0;
	s7 =	rddreg [dreg:$0x5]  }
0x1a: {  	s28 =	sadd.s32 $0x10000, s8;
	[sflag:s0] =	ssyncadd.s32 @!p0 $0xFFFFE000;
	s23 =	sand.u32 $0x40, s7  }
0x1b: {  	[tilespmem:s14], [sflag:$0x3] =	stream.indirect.gather [hbm4b:s4+s11], $0x40, s3, s11, $0xb8;
	[tilespmem:$0xE400] =	vst v63  }
0x1c: {  	s29 =	sadd.s32 $0x8000, s9;
	s0 =	sor.u32 s23, s10;
	_ =	swait.ge [sflag:s15], $0x2000  }
0x1d: {  	s1 =	simm.s32 @!p0 $0x8;
	s0 =	sshrl.u32 s0, $0x3;
	[sflag:s15] =	ssyncset.done $0x0  }
0x1e: {  	s6 =	sadd.s32 $0x4, s7;
	s0 =	sadd.s32 s2, s0;
	[sflag:s15] =	ssyncadd.s32 $0xFFFFE000  }
0x1f: {  	[hbm4b:s0+s16] =	stream.strided.scatter [tilespmem:s12], [sflag:$0x5], $0x2000, s11, s16, $0x38;
	[tilespmem:$0xE400] =	vst v63  }
0x20: {  	s30 =	sadd.s32 $0x10, s7;
	s3 =	sand.u32 $0x34000, s26;
	_ =	swait.ge @!p0 [sflag:s1], $0x2000  }
0x21: {  	s10 =	sand.u32 $0x40, s6;
	s0 =	sand.u32 $0x7FFC0000, s24;
	[sflag:s1] =	ssyncset.done @!p0 $0x0  }
0x22: {  	s23 =	sadd.s32 $0x4000, s9;
	s0 =	sor.u32 s3, s0;
	[sflag:s1] =	ssyncadd.s32 @!p0 $0xFFFFE000  }
0x23: {  	[tilespmem:s17], [sflag:$0x4] =	stream.indirect.gather [hbm4b:s4+s11], $0x40, s31, s11, $0xb8;
	[tilespmem:$0xE400] =	vst v63  }
0x24: {  	s6 =	simm.s32 @!p1 $0x200;
	s0 =	sor.u32 s10, s0;
	_ =	swait.ge [sflag:s18], $0x2000  }
0x25: {  	s24 =	sadd.s32 $0x8, s7;
	s0 =	sshrl.u32 s0, $0x3;
	[sflag:s18] =	ssyncset.done $0x0  }
0x26: {  	s3 =	simm.s32 @!p1 $0x80;
	s0 =	sadd.s32 s2, s0;
	[sflag:s18] =	ssyncadd.s32 $0xFFFFE000  }
0x27: {  	[hbm4b:s0+s16] =	stream.strided.scatter [tilespmem:s13], [sflag:$0x6], $0x2000, s11, s16, $0x38;
	[tilespmem:$0xE400] =	vst v63  }
0x28: {  	s10 =	simm.s32 @!p1 $0x6400;
	s31 =	sadd.s32 $0x8000, s8;
	_ =	swait.ge [sflag:s19], $0x2000  }
0x29: {  	s1 =	sand.u32 $0x7FFC0000, s23;
	s5 =	sand.u32 $0x38000, s31;
	[sflag:s19] =	ssyncset.done $0x0  }
0x2a: {  	s1 =	sor.u32 s5, s1;
	s0 =	sand.u32 $0x40, s24;
	[sflag:s19] =	ssyncadd.s32 $0xFFFFE000  }
0x2b: {  	[tilespmem:s10], [sflag:$0x1] =	stream.indirect.gather @!p1 [hbm4b:s4+s3], $0x40, s6, s3, $0xb8;
	[tilespmem:$0xE400] =	vst v63  }
0x2c: {  	s26 =	simm.s32 $0x800;
	s0 =	sor.u32 s0, s1;
	_ =	swait.ge [sflag:s20], $0x2000  }
0x2d: {  	s23 =	sadd.s32 $0xC000, s8;
	s0 =	sshrl.u32 s0, $0x3;
	[sflag:s20] =	ssyncset.done $0x0  }
0x2e: {  	s31 =	sadd.s32 $0x6000, s9;
	s0 =	sadd.s32 s2, s0;
	[sflag:s20] =	ssyncadd.s32 $0xFFFFE000  }
0x2f: {  	[hbm4b:s0+s16] =	stream.strided.scatter [tilespmem:s14], [sflag:$0x7], $0x2000, s11, s16, $0x38;
	[tilespmem:$0xE400] =	vst v63  }
0x30: {  	s5 =	simm.s32 @!p1 $0x280;
	s24 =	sadd.s32 $0xC, s7;
	_ =	swait.ge [sflag:s21], $0x2000  }
0x31: {  	s1 =	simm.s32 @!p1 $0x8400;
	s6 =	sand.u32 $0x7FFC0000, s31;
	[sflag:s21] =	ssyncset.done $0x0  }
0x32: {  	s10 =	sand.u32 $0x3C000, s23;
	s0 =	sand.u32 $0x40, s24;
	[sflag:s21] =	ssyncadd.s32 $0xFFFFE000  }
.LBB2_2:
0x33: {  	[tilespmem:s1], [sflag:$0x2] =	stream.indirect.gather @!p1 [hbm4b:s4+s3], $0x40, s5, s3, $0xb8;
	[tilespmem:$0xE400] =	vst v63  }
0x34: {  	s3 =	smov.u32 s26;
	s1 =	smov.u32 s28;
	s31 =	smov.u32 s29  }
0x35: {  	s26 =	sadd.s32 $0x800, s26;
	s5 =	sor.u32 s10, s6;
	_ =	swait.ge [sflag:s22], $0x2000  }
0x36: {  	p0 =	sne.s32 s26, $0x19000;
	s0 =	sor.u32 s0, s5;
	[sflag:s22] =	ssyncset.done $0x0  }
0x37: {  	p1 =	seq.s32 s3, $0x0;
	s0 =	sshrl.u32 s0, $0x3;
	[sflag:s22] =	ssyncadd.s32 $0xFFFFE000  }
0x38: {  	s5 =	simm.s32 @!p1 $0x7;
	s6 =	sadd.s32 s2, s0;
	s0 =	smov.u32 s30  }
0x39: {  	[hbm4b:s6+s16] =	stream.strided.scatter [tilespmem:s17], [sflag:$0x8], $0x2000, s11, s16, $0x38;
	[tilespmem:$0xE400] =	vst v63  }
0x3a: {  	s10 =	sand.u32 $0x30000, s28;
	s6 =	sshra.s32 s3, $0x2;
	_ =	swait.ge @!p1 [sflag:s5], $0x2000  }
0x3b: {  	s24 =	sand.u32 $0x7FFC0000, s29;
	s23 =	sadd.s32 $0x100, s6;
	[sflag:s5] =	ssyncset.done @!p1 $0x0  }
0x3c: {  	[sflag:s5] =	ssyncadd.s32 @!p1 $0xFFFFE000;
	s5 =	sor.u32 s10, s24;
	s10 =	sand.u32 $0x40, s30  }
0x3d: {  	[tilespmem:s14], [sflag:$0x3] =	stream.indirect.gather [hbm4b:s4+s11], $0x40, s23, s11, $0xb8;
	[tilespmem:$0xE400] =	vst v63  }
0x3e: {  	s5 =	sor.u32 s10, s5;
	_ =	swait.ge [sflag:s15], $0x2000  }
0x3f: {  	s5 =	sshrl.u32 s5, $0x3;
	[sflag:s15] =	ssyncset.done $0x0  }
0x40: {  	s10 =	simm.s32 @!p1 $0x8;
	s5 =	sadd.s32 s2, s5;
	[sflag:s15] =	ssyncadd.s32 $0xFFFFE000  }
0x41: {  	[hbm4b:s5+s16] =	stream.strided.scatter [tilespmem:s12], [sflag:$0x5], $0x2000, s11, s16, $0x38;
	[tilespmem:$0xE400] =	vst v63  }
0x42: {  	s23 =	sadd.s32 $0x4000, s28;
	s5 =	sadd.s32 $0x2000, s29;
	_ =	swait.ge @!p1 [sflag:s10], $0x2000  }
0x43: {  	s6 =	sadd.s32 $0x180, s6;
	s5 =	sand.u32 $0x7FFC0000, s5;
	[sflag:s10] =	ssyncset.done @!p1 $0x0  }
0x44: {  	[sflag:s10] =	ssyncadd.s32 @!p1 $0xFFFFE000;
	s10 =	sand.u32 $0x34000, s23;
	s23 =	sadd.s32 $0x4, s30  }
0x45: {  	s5 =	sor.u32 s10, s5;
	s10 =	sand.u32 $0x40, s23;
	s23 =	sadd.s32 $0x4000, s29  }
0x46: {  	[tilespmem:s17], [sflag:$0x4] =	stream.indirect.gather [hbm4b:s4+s11], $0x40, s6, s11, $0xb8;
	[tilespmem:$0xE400] =	vst v63  }
0x47: {  	s5 =	sor.u32 s10, s5;
	s6 =	sadd.s32 $0x8, s30;
	_ =	swait.ge [sflag:s18], $0x2000  }
0x48: {  	s5 =	sshrl.u32 s5, $0x3;
	s6 =	sand.u32 $0x40, s6;
	[sflag:s18] =	ssyncset.done $0x0  }
0x49: {  	s10 =	sadd.s32 $0x8000, s28;
	s5 =	sadd.s32 s2, s5;
	[sflag:s18] =	ssyncadd.s32 $0xFFFFE000  }
0x4a: {  	[hbm4b:s5+s16] =	stream.strided.scatter [tilespmem:s13], [sflag:$0x6], $0x2000, s11, s16, $0x38;
	[tilespmem:$0xE400] =	vst v63  }
0x4b: {  	p1 =	seq.s32 s3, $0x18800;
	s10 =	sand.u32 $0x38000, s10;
	_ =	swait.ge [sflag:s19], $0x2000  }
0x4c: {  	s5 =	sshra.s32 @!p1 s3, $0x2;
	s3 =	simm.s32 @!p1 $0x80;
	[sflag:s19] =	ssyncset.done $0x0  }
0x4d: {  	s7 =	simm.s32 @!p1 $0x6400;
	s24 =	sadd.s32 @!p1 $0x200, s5;
	[sflag:s19] =	ssyncadd.s32 $0xFFFFE000  }
0x4e: {  	[tilespmem:s7], [sflag:$0x1] =	stream.indirect.gather @!p1 [hbm4b:s4+s3], $0x40, s24, s3, $0xb8;
	[tilespmem:$0xE400] =	vst v63  }
0x4f: {  	s5 =	sadd.s32 @!p1 $0x280, s5;
	s7 =	sand.u32 $0x7FFC0000, s23;
	_ =	swait.ge [sflag:s20], $0x2000  }
0x50: {  	s7 =	sor.u32 s10, s7;
	[sflag:s20] =	ssyncset.done $0x0  }
0x51: {  	s29 =	sadd.s32 $0x8000, s29;
	s6 =	sor.u32 s6, s7;
	[sflag:s20] =	ssyncadd.s32 $0xFFFFE000  }
0x52: {  	s28 =	sadd.s32 $0x10000, s28;
	s30 =	sadd.s32 $0x10, s30;
	s6 =	sshrl.u32 s6, $0x3  }
.Ltmp0:
0x53: {  	s7 =	sadd.s32 $0xC000, s1;
	s6 =	sadd.s32 s2, s6;
	(pc) =	sbr.rel @p0 .LBB2_2-.Ltmp0, $4  }
0x54: {  	[hbm4b:s6+s16] =	stream.strided.scatter [tilespmem:s14], [sflag:$0x7], $0x2000, s11, s16, $0x38;
	[tilespmem:$0xE400] =	vst v63  }
0x55: {  	s0 =	sadd.s32 $0xC, s0;
	s1 =	simm.s32 @!p1 $0x8400;
	_ =	swait.ge [sflag:s21], $0x2000  }
0x56: {  	s0 =	sand.u32 $0x40, s0;
	s6 =	sadd.s32 $0x6000, s31;
	[sflag:s21] =	ssyncset.done $0x0  }
0x57: {  	s10 =	sand.u32 $0x3C000, s7;
	s6 =	sand.u32 $0x7FFC0000, s6;
	[sflag:s21] =	ssyncadd.s32 $0xFFFFE000  }
0x58: {  	[tilespmem:s1], [sflag:$0x2] =	stream.indirect.gather @!p1 [hbm4b:s4+s3], $0x40, s5, s3, $0xb8;
	[tilespmem:$0xE400] =	vst v63  }
0x59: {  	s28 =	sor.u32 s10, s6  }
0x5a: {  	_ =	swait.ge [sflag:s22], $0x2000;
	s0 =	sor.u32 s0, s28  }
0x5b: {  	[sflag:s22] =	ssyncset.done $0x0;
	s0 =	sshrl.u32 s0, $0x3  }
0x5c: {  	s29 =	simm.s32 $0x7;
	[sflag:s22] =	ssyncadd.s32 $0xFFFFE000;
	s0 =	sadd.s32 s2, s0  }
0x5d: {  	[hbm4b:s0+s16] =	stream.strided.scatter [tilespmem:s17], [sflag:$0x8], $0x2000, s11, s16, $0x38;
	[tilespmem:$0xE400] =	vst v63  }
0x5e: {  	_ =	swait.ge [sflag:s29], $0x2000  }
0x5f: {  	[sflag:s29] =	ssyncset.done $0x0  }
0x60: {  	s30 =	simm.s32 $0x8;
	[sflag:s29] =	ssyncadd.s32 $0xFFFFE000  }
0x61: {  	_ =	swait.ge [sflag:s30], $0x2000  }
0x62: {  	s25 =	sadd.s32 $0x1, s25;
	s31 =	rddreg [dreg:$0x4]  }
0x63: {  	p0 =	sne.s32 s25, s31  }
.Ltmp1:
0x64: {  	_ = 	snop;
	(pc) =	sbr.rel @p0 .LBB2_1-.Ltmp1, $3  }
0x65: {  	_ =	sdelay $0x1  }
0x66: {  	[sflag:s30] =	ssyncset.done $0x0  }
0x67: {  	[sflag:s30] =	ssyncadd.s32 $0xFFFFE000  }
0x68: {  	_ =	sfence.sel $0x180000  }
0x69: {  	[bflag:$0x0] =	sbarrier.arrive $0xFFFF  }
0x6a: {  	_ =	strace $0x90000047  }
0x6b: {  	s0 =	stileid.u32;
	[bflag:$0x2] =	sbarrier.arrive $0xFFFF  }
0x6c: {  	p0 =	sne.s32 s0, $0x0;
	s0 =	rddreg [dreg:$0x2]  }
0x6d: {  	s0 =	sadd.s32 @!p0 $0x100000, s0  }
0x6e: {  	[sflag:s0] =	ssyncadd.tile.s32 @!p0 $0x1;
	_ =	shalt  }
.Lfunc_end2:
_tile_overlayer_lowered:
.L_overlay_start_2:
0x6f: {  	(tag) =	ssettag $0x2  }
0x70: {  	s0 =	rddreg [dreg:$0x0];
	s2 =	stileid.u32  }
0x71: {  	s1 =	rddreg [dreg:$0x1];
	p0 =	sne.s32 s2, $0x0  }
0x72: {  	s3 =	rddreg [dreg:$0x2];
	[bflag:$0x3] =	sbarrier.arrive $0xFFFF;
	s2 =	simm.s32 @!p0 $0x1C09  }
0x73: {  	[timem:s3], [sflag:s2] =	dma.local @!p0 [hbm:s0], s1  }
0x74: {  	s0 =	simm.s32 @!p0 $0x9  }
0x75: {  	_ =	swait.ge @!p0 [sflag:s0], s1  }
0x76: {  	s1 =	ssub.s32 @!p0 $0x0, s1;
	[sflag:s0] =	ssyncset.done @!p0 $0x0  }
0x77: {  	[sflag:s0] =	ssyncadd.s32 @!p0 s1  }
0x78: {  	[bflag:$0x3] =	sbarrier.arrive $0xFFFF  }
0x79: {  	_ =	shalt  }

// kernel: sparse-core-data-format-call.cloned.1.call-start
scs
called_computation_lowered:
.L_overlay_start_0:
0x0: {  	s2 =	sld [smem:$0x3FD9]  }
0x1: {  	s3 =	sld [smem:$0x3FFE];
	_ =	sdelay $0x1  }
0x2: {  	s1 =	srdreg.scid  }
0x3: {  	s0 =	sand.u32 $0x1, s1  }
0x4: {  	s18 =	sshll.u32 s0, $0xA;
	s2 =	sadd.s32 s3, s2  }
0x5: {  	s2 =	sadd.s32 s2, s18  }
0x6: {  	[smem:$0x3FC3] =	sst s2  }
0x7: {  	_ = 	snop  }
0x8: {  	s2 =	sld [smem:$0x3FD0];
	(tm) =	ssettm $0x1  }
0x9: {  	s19 =	sld [smem:$0x3FFB];
	_ =	sdelay $0x3  }
0xa: {  	_ =	strace s19  }
0xb: {  	s3 =	sld [smem:$0x3FFC];
	_ =	sdelay $0x3  }
0xc: {  	_ =	strace s3  }
0xd: {  	s3 =	sld [smem:$0x3FFD];
	_ =	sdelay $0x3  }
0xe: {  	_ =	strace s3  }
0xf: {  	_ =	strace $0x8FFFFFFF  }
0x10: {  	s20 =	sld [smem:$0x3FDB];
	_ =	sdelay $0x1  }
0x11: {  	s4 =	simm.s32 $_scs_section_size  }
0x12: {  	s5 =	simm.s32 $_size__tile_overlayer_lowered;
	s6 =	simm.s32 $_tile_overlayer_lowered  }
0x13: {  	s23 =	simm.s32 $0x1BFF;
	s22 =	sshll.u32 s6, $0x1;
	s3 =	sadd.s32 s4, s20  }
0x14: {  	s7 =	simm.s32 $0x0;
	s21 =	sshll.u32 s5, $0x1;
	s5 =	sadd.s32 s22, s3  }
0x15: {  	[timem:s7], [sflag:s23] =	dma.local [hbm:s5], s21  }
0x16: {  	_ =	swait.ge [sflag:s23], s21  }
0x17: {  	s4 =	ssub.s32 $0x0, s21;
	[sflag:s23] =	ssyncset.done $0x0  }
0x18: {  	[sflag:s23] =	ssyncadd.s32 s4;
	_ =	sdelay $0x1  }
0x19: {  	s24 =	simm.s32 $0x1B8B  }
0x1a: {  	_ =	swait.ge [sflag:s24], $0x1  }
0x1b: {  	[sflag:s24] =	ssyncset.done $0x0  }
0x1c: {  	s26 =	simm.s32 $0x1B8E;
	s25 =	sld [smem:$0x3FFE];
	[sflag:s24] =	ssyncadd.s32 $0xFFFFFFFF  }
0x1d: {  	s27 =	simm.s32 $execute0_lowered;
	[smem:$0x3FD2] =	sst s26  }
0x1e: {  	s5 =	sshll.u32 s27, $0x1;
	_ =	strace $0x80000049;
	[dreg:$0x1] =	wrdreg $0xFFFFFFFF  }
0x1f: {  	s28 =	simm.s32 $_size_execute0_lowered;
	s3 =	sadd.s32 s3, s5;
	[dreg:$0x0] =	wrdreg $0x0  }
0x20: {  	s5 =	sshll.u32 s28, $0x1;
	[dreg:$0x2] =	wrdreg s3  }
0x21: {  	[dreg:$0x3] =	wrdreg s5  }
0x22: {  	[dreg:$0x4] =	wrdreg $0xC0  }
0x23: {  	_ =	task [dreg:s7], $0x5FFFF  }
0x24: {  	[dreg:$0x1] =	wrdreg $0xFFFFFFFF  }
0x25: {  	[dreg:$0x0] =	wrdreg $0x60  }
0x26: {  	[dreg:$0x2] =	wrdreg s25  }
0x27: {  	[dreg:$0x3] =	wrdreg s2  }
0x28: {  	[dreg:$0x4] =	wrdreg $0x9  }
0x29: {  	_ =	task.clear_ibuf [dreg:s7], $0x5FFFF;
	_ =	strace $0x90000049  }
0x2a: {  	s29 =	simm.s32 $0x9;
	_ =	strace $0x8000004B  }
0x2b: {  	_ =	swait.ge [sflag:s29], $0x1  }
0x2c: {  	[sflag:s29] =	ssyncadd.s32 $0xFFFFFFFF  }
0x2d: {  	_ =	strace $0x9000004B  }
0x2e: {  	_ =	sfence  }
0x2f: {  	s30 =	sld [smem:$0x0];
	_ =	sdelay $0x2  }
0x30: {  	s31 =	sshll.u32 s1, $0xD;
	s1 =	sshrl.u32 s1, $0x2  }
0x31: {  	s3 =	sand.u32 $0x4000, s31;
	s1 =	sadd.s32 s1, s30  }
0x32: {  	s0 =	sor.u32 s3, s0;
	s1 =	sshll.u32 s1, $0x11  }
0x33: {  	s0 =	sor.u32 s1, s0  }
0x34: {  	s0 =	sadd.s32 $0x8F2B, s0  }
0x35: {  	[sflag:s0] =	ssyncadd.remote.s32 $0x1  }
0x36: {  	_ =	sfence.sel $0xFFFF  }
0x37: {  	[dreg:$0x0] =	wrdreg $0xFFFFFFFF;
	(pc) =	sbr.abs _section_cstart, $3  }
0x38: {  	[dreg:$0x1] =	wrdreg $0xFFFFFFFF  }
0x39: {  	_ =	task.clear_ibuf [dreg:s7], $0x2FFFF;
	_ =	strace $0x9FFFFFFF  }
0x3a: {  	(tm) =	ssettm $0x7FFFFFFF  }
0x3b: {  	_ =	shalt  }
tec
execute0_lowered:
.L_overlay_start_1:
0x0: {  	(tag) =	ssettag $0x1  }
0x1: {  	s0 =	srdreg.scid  }
0x2: {  	s1 =	sshll.u32 s0, $0x4  }
0x3: {  	s0 =	stileid.u32;
	s1 =	sand.u32 $0x10, s1  }
0x4: {  	s1 =	sor.u32 s0, s1  }
0x5: {  	s6 =	rddreg [dreg:$0x0];
	s4 =	simm.s32 $0x1;
	s2 =	sshll.u32 s1, $0x7  }
0x6: {  	s7 =	simm.s32 $0x2;
	s12 =	simm.s32 $0x0;
	s1 =	ssub.s32 $0x1000, s2  }
0x7: {  	s8 =	simm.s32 $0x8000;
	s13 =	simm.s32 $0x0;
	s3 =	sand.u32 $0xF80, s1  }
0x8: {  	s9 =	simm.s32 $0x0;
	s5 =	sshrl.u32 s1, $0xC;
	p0 =	sne.s32 s3, $0x0  }
.Ltmp0:
0x9: {  	s1 =	rddreg [dreg:$0x2];
	s4 =	simm.s32 @!p0 $0x0;
	(pc) =	sbr.rel .LBB1_1-.Ltmp0, $4  }
0xa: {  	s11 =	simm.s32 $0x0;
	s3 =	rddreg [dreg:$0x1];
	s5 =	sadd.s32 s4, s5  }
0xb: {  	_ =	strace $0x8000004A;
	s4 =	simm.s32 $0x1;
	s5 =	smul.u32 $0xC8, s5  }
0xc: {  	s6 =	sadd.s32 $0xE00, s6;
	s10 =	smov.u32 s2;
	[sflag:s4] =	ssyncpa.u1 $0x0  }
0xd: {  	p0 =	por $0x0, $0x0;
	[sflag:s7] =	ssyncpa.u1 $0x0;
	s7 =	sor.u32 $0x1, s5  }
.LBB1_4:
0xe: {  	s16 =	sshll.u32 s13, $0x3;
	s17 =	sand.u32 $0x78, s13  }
0xf: {  	s30 =	sand.u32 $0x7E00, s13;
	s12 =	sshll.u32 s12, $0xF;
	s16 =	sand.u32 $0xC00, s16  }
0x10: {  	[tilespmem:s15+$0x810 ss:$0x81] =	vst.msk $0xffff, v2;
	s31 =	sand.u32 $0x7, s13;
	s16 =	sor.u32 s17, s16;
	s17 =	sadd.s32 s3, s30  }
0x11: {  	[tilespmem:s15+$0x1020 ss:$0x81] =	vst.msk $0xffff, v0;
	s13 =	sshll.u32 s31, $0x12;
	s12 =	sadd.s32 s12, s17;
	s16 =	sshrl.u32 s16, $0x3  }
0x12: {  	[tilespmem:s15+$0x0 ss:$0x81] =	vst.msk $0xffff, v1;
	s13 =	sor.u32 $0x400, s13;
	s12 =	sadd.s32 s16, s12  }
0x13: {  	[hbm4b:s12+s13] =	stream.strided.scatter [tilespmem:s14], [sflag:$0x2], $0x2000, s8, s13, $0x20;
	[tilespmem:$0x8080] =	vst v63  }
.LBB1_5:
0x14: {  	s14 =	sadd.s32 $0x1, s9  }
0x15: {  	s12 =	sadd.s32 $0x1000, s10;
	s16 =	smov.u32 s10;
	p2 =	sgt.s32 s14, $0xC7  }
0x16: {  	s16 =	smov.u32 @p2 s12  }
0x17: {  	s14 =	simm.s32 @p2 $0x0;
	p2 =	sgt.s32 s16, $0xFFF  }
0x18: {  	s16 =	smov.u32 @p2 s2;
	p2 =	sne.s32 s11, s7  }
.Ltmp1:
0x19: {  	p1 =	slt.u32 s11, $0x2;
	(pc) =	sbr.rel @!p2 .LBB1_6-.Ltmp1, $4  }
0x1a: {  	s15 =	simm.s32 @!p1 $0x2  }
0x1b: {  	s13 =	smov.u32 s10;
	p0 =	por !p0, !p0;
	_ =	swait.ge @!p1 [sflag:s15], $0x2000  }
0x1c: {  	s12 =	smov.u32 s9;
	[sflag:s15] =	ssyncset.done @!p1 $0x0;
	s9 =	smov.u32 s14  }
0x1d: {  	s11 =	sadd.s32 $0x1, s11;
	[sflag:s15] =	ssyncadd.s32 @!p1 $0xFFFFE000;
	s10 =	smov.u32 s16  }
.LBB1_1:
0x1e: {  	p1 =	sge.u32 s11, s5  }
0x1f: {  	s14 =	sand.u32 @!p1 $0x1FFFFFF, s9  }
0x20: {  	s15 =	smulhi.u32 @!p1 $0x147AE15, s14;
	_ =	sdelay $0x1  }
0x21: {  	s15 =	smul.u32 @!p1 $0xC8, s15  }
0x22: {  	s16 =	sxor.u32 @!p1 $0xFFFFFFFF, s11;
	s17 =	smul.u32 @!p1 $0xC80, s10  }
0x23: {  	s31 =	sadd.s32 $0xFFFFFFFF, s11;
	s16 =	sshll.u32 @!p1 s16, $0xD;
	s14 =	ssub.s32 @!p1 s14, s15  }
0x24: {  	s15 =	sand.u32 @!p1 $0x2000, s16;
	s16 =	sadd.s32 @!p1 s6, s17;
	s14 =	sshll.u32 @!p1 s14, $0x4  }
0x25: {  	s17 =	simm.s32 @!p1 $0x6400;
	s14 =	sadd.s32 @!p1 s14, s16;
	s16 =	simm.s32 @!p1 $0x40  }
0x26: {  	[tilespmem:s15], [sflag:$0x1] =	stream.strided.gather @!p1 [hbm4b:s14+s16], $0x2000, s17, s16, $0x38;
	[tilespmem:$0x8080] =	vst v63  }
0x27: {  	p1 =	sge.u32 s31, s5  }
.Ltmp2:
0x28: {  	_ = 	snop;
	(pc) =	sbr.rel @p1 .LBB1_5-.Ltmp2, $1  }
0x29: {  	_ =	sdelay $0x3  }
0x2a: {  	s14 =	simm.s32 $0x1  }
0x2b: {  	_ =	swait.ge [sflag:s4], $0x2000;
	s14 =	simm.s32 @!p0 $0x0  }
0x2c: {  	[sflag:s4] =	ssyncset.done $0x0;
	s15 =	sshll.u32 s14, $0xD  }
0x2d: {  	[sflag:s4] =	ssyncadd.s32 $0xFFFFE000;
	s18 =	sor.u32 $0x20, s15  }
0x2e: {  	s14 =	smul.u32 $0x8100, s14;
	v3 =	vld [tilespmem:s18+$0x10]  }
0x2f: {  	s30 =	sand.u32 $0x1, s11;
	v2 =	vld [tilespmem:s18+$0xFFFFFFF0]  }
0x30: {  	s15 =	smul.u32 $0x8100, s30;
	s14 =	sshrl.u32 s14, $0x2;
	v0 =	vld [tilespmem:s18+$0x0]  }
0x31: {  	v1 =	vld [tilespmem:s18+$0xFFFFFFE0];
	s16 =	sor.u32 $0x4000, s14  }
0x32: {  	s31 =	sshrl.u32 s15, $0x2;
	s15 =	sadd.s32 $0x0, s16  }
0x33: {  	s17 =	simm.s32 $0x4;
	s18 =	sadd.s32 $0x40, s18;
	s14 =	sor.u32 $0x4000, s31;
	[tilespmem:s15+$0x1830 ss:$0x81] =	vst.msk $0xffff, v3  }
.LBB1_3:
0x34: {  	v3 =	vld [tilespmem:s18+$0x10];
	p1 =	sne.s32 s17, $0x1FC;
	[tilespmem:s15+$0x810 ss:$0x81] =	vst.msk $0xffff, v2;
	s19 =	smov.u32 s17;
	s17 =	sadd.s32 $0x4, s17  }
.Ltmp3:
0x35: {  	v2 =	vld [tilespmem:s18+$0xFFFFFFF0];
	[tilespmem:s15+$0x1020 ss:$0x81] =	vst.msk $0xffff, v0;
	(pc) =	sbr.rel @p1 .LBB1_3-.Ltmp3, $4  }
0x36: {  	v0 =	vld [tilespmem:s18+$0x0];
	[tilespmem:s15+$0x0 ss:$0x81] =	vst.msk $0xffff, v1  }
0x37: {  	s15 =	sshra.s32 s19, $0x2;
	v1 =	vld [tilespmem:s18+$0xFFFFFFE0]  }
0x38: {  	s15 =	sadd.s32 s15, s16  }
0x39: {  	s18 =	sadd.s32 $0x40, s18;
	[tilespmem:s15+$0x1830 ss:$0x81] =	vst.msk $0xffff, v3  }
.Ltmp4:
0x3a: {  	_ = 	snop;
	(pc) =	sbr.rel .LBB1_4-.Ltmp4, $1  }
0x3b: {  	_ =	sdelay $0x3  }
.LBB1_6:
0x3c: {  	_ =	sfence.sel $0x180000  }
0x3d: {  	s2 =	simm.s32 $0x1;
	[bflag:$0x0] =	sbarrier.arrive $0xFFFF  }
0x3e: {  	s31 =	simm.s32 $0x2;
	[sflag:s2] =	ssyncpa.u1 $0x1  }
0x3f: {  	[sflag:s31] =	ssyncpa.u1 $0x1  }
0x40: {  	p0 =	sne.s32 s0, $0x0;
	_ =	strace $0x9000004A  }
0x41: {  	s0 =	sadd.s32 @!p0 $0x100000, s1;
	[bflag:$0x2] =	sbarrier.arrive $0xFFFF  }
0x42: {  	[sflag:s0] =	ssyncadd.tile.s32 @!p0 $0x1;
	_ =	shalt  }
.Lfunc_end1:
_tile_overlayer_lowered:
.L_overlay_start_2:
0x43: {  	(tag) =	ssettag $0x2  }
0x44: {  	s0 =	rddreg [dreg:$0x0];
	s2 =	stileid.u32  }
0x45: {  	s1 =	rddreg [dreg:$0x1];
	p0 =	sne.s32 s2, $0x0  }
0x46: {  	s3 =	rddreg [dreg:$0x2];
	[bflag:$0x3] =	sbarrier.arrive $0xFFFF;
	s2 =	simm.s32 @!p0 $0x1C01  }
0x47: {  	[timem:s3], [sflag:s2] =	dma.local @!p0 [hbm:s0], s1  }
0x48: {  	s0 =	simm.s32 @!p0 $0x1  }
0x49: {  	_ =	swait.ge @!p0 [sflag:s0], s1  }
0x4a: {  	s1 =	ssub.s32 @!p0 $0x0, s1;
	[sflag:s0] =	ssyncset.done @!p0 $0x0  }
0x4b: {  	[sflag:s0] =	ssyncadd.s32 @!p0 s1  }
0x4c: {  	[bflag:$0x3] =	sbarrier.arrive $0xFFFF  }
0x4d: {  	_ =	shalt  }

</sc_bundles>
